<compile_context>
chip_gen: v7x
topology: tpu7x:2x2x1
jax: 0.10.2.dev20260603
libtpu: 0.0.44.dev20260713+nightly
codegen_flags: <defaults>
</compile_context>

<pallas_src>
import dataclasses
import numpy as np
import jax
import jax.numpy as jnp
from jax import lax
from jax.experimental import pallas as pl
from jax.experimental.pallas import tpu as pltpu
from jax.experimental.pallas import tpu_sc as plsc

RW = 32

N_FFT = 256
HOP = 128
E = 16
GH = 256
HE = 64
OUT = 64
B = 1024
L = 2048
FREQ = N_FFT // 2 + 1
FRAMES = 17
BT = 256
EG = 4
GW = EG * HE


def _dft_consts():
    n = np.arange(N_FFT)
    f = np.arange(FREQ)
    win = 0.5 * (1.0 - np.cos(2.0 * np.pi * n / N_FFT))
    ang = 2.0 * np.pi * np.outer(n, f) / N_FFT
    cw = win[:, None] * np.cos(ang)
    sw = win[:, None] * np.sin(ang)
    e0 = np.zeros((N_FFT, FREQ))
    e0[0:HOP] += cw[HOP:]
    e0[1:HOP + 1] += cw[0:HOP][::-1]
    s0 = np.zeros((N_FFT, FREQ))
    s0[0:HOP] += sw[HOP:]
    s0[1:HOP + 1] += sw[0:HOP][::-1]
    e16 = np.zeros((N_FFT, FREQ))
    e16[HOP:] += cw[0:HOP]
    e16[HOP - 1:N_FFT - 1] += cw[HOP:][::-1]
    s16 = np.zeros((N_FFT, FREQ))
    s16[HOP:] += sw[0:HOP]
    s16[HOP - 1:N_FFT - 1] += sw[HOP:][::-1]
    f32 = np.float32
    return cw.astype(f32), sw.astype(f32), e0.astype(f32), s0.astype(f32), \
        e16.astype(f32), s16.astype(f32)


def _dotp(a, b):
    return jnp.dot(a, b, preferred_element_type=jnp.float32)


def _mag(re, im):
    s = re * re + im * im
    sg = s + jnp.float32(1e-30)
    y = lax.rsqrt(sg)
    y = y * (jnp.float32(1.5) - jnp.float32(0.5) * sg * y * y)
    return s * y


def _gating_kernel(x_ref, cw_ref, sw_ref, cw0_ref, sw0_ref, cw16_ref,
                   sw16_ref, gw1_ref, gb1_ref, gw2_ref, gb2_ref,
                   wmat_ref, x16_ref):
    x16_ref[...] = x_ref[...].astype(jnp.bfloat16)
    frames = jnp.concatenate(
        [x_ref[:, s * HOP:s * HOP + N_FFT] for s in range(FRAMES - 2)], axis=0)
    mag = _mag(_dotp(frames, cw_ref[...]), _dotp(frames, sw_ref[...]))
    fr0 = x_ref[:, 0:N_FFT]
    pooled = _mag(_dotp(fr0, cw0_ref[...]), _dotp(fr0, sw0_ref[...]))
    for t in range(FRAMES - 2):
        pooled = pooled + mag[t * BT:(t + 1) * BT]
    fr16 = x_ref[:, L - N_FFT:L]
    pooled += _mag(_dotp(fr16, cw16_ref[...]), _dotp(fr16, sw16_ref[...]))
    pooled = pooled * jnp.float32(1.0 / FRAMES)
    h = jnp.maximum(_dotp(pooled, gw1_ref[...]) + gb1_ref[...], 0.0)
    wmat_ref[...] = _dotp(h, gw2_ref[...]) + gb2_ref[...]


def _router_sc_body(logits_hbm, iota_hbm, wmat_hbm):
    def body(l_vm, i_vm, w_vm):
        idxf = i_vm[0, :]

        @pl.loop(0, RW)
        def _(k):
            r = l_vm[k, :]
            m1 = jnp.max(r)
            i1 = jnp.min(jnp.where(r == m1, idxf, jnp.float32(E)))
            oh1 = idxf == i1
            r2 = jnp.where(oh1, jnp.float32(-1e30), r)
            m2 = jnp.max(r2)
            i2 = jnp.min(jnp.where(r2 == m2, idxf, jnp.float32(E)))
            oh2 = idxf == i2
            tv = jnp.exp(r * 0.0 + (m2 - m1))
            w1v = 1.0 / (1.0 + tv)
            w2v = tv * w1v
            w_vm[k, :] = jnp.where(oh1, w1v, 0.0) + jnp.where(oh2, w2v, 0.0)

    pltpu.emit_pipeline(
        body,
        grid=(B // RW,),
        in_specs=[pl.BlockSpec((RW, E), lambda i: (i, 0)),
                  pl.BlockSpec((1, E), lambda i: (0, 0))],
        out_specs=[pl.BlockSpec((RW, E), lambda i: (i, 0))],
        core_axis_name=("c", "s"),
        dimension_semantics=(pltpu.PARALLEL,),
    )(logits_hbm, iota_hbm, wmat_hbm)


def _router_sc(logits):
    iota = jnp.arange(E, dtype=jnp.float32).reshape(1, E)
    mesh = plsc.VectorSubcoreMesh(core_axis_name="c", subcore_axis_name="s")
    cp = pltpu.CompilerParams()
    if "needs_layout_passes" in pltpu.CompilerParams.__dataclass_fields__:
        cp = dataclasses.replace(cp, needs_layout_passes=False)
    return pl.kernel(
        _router_sc_body,
        out_type=jax.ShapeDtypeStruct((B, E), jnp.float32),
        mesh=mesh,
        scratch_types=[],
        compiler_params=cp,
    )(logits, iota)


def _expert_kernel(x_ref, w1_ref, b1_ref, sel_ref, w2_ref, b2_ref, wmat_ref,
                   out_ref):
    g = pl.program_id(0)
    eh = jnp.maximum(
        jnp.dot(x_ref[...], w1_ref[...], preferred_element_type=jnp.float32)
        + b1_ref[...], 0.0)
    wexp = jnp.dot(wmat_ref[...], sel_ref[0],
                   preferred_element_type=jnp.float32)
    ehs = (eh * wexp).astype(jnp.bfloat16)
    contrib = jnp.dot(ehs, w2_ref[...], preferred_element_type=jnp.float32)

    @pl.when(g == 0)
    def _():
        out_ref[...] = jnp.dot(wmat_ref[...], b2_ref[...],
                               preferred_element_type=jnp.float32)

    out_ref[...] += contrib


def kernel(x, gW1, gb1, gW2, gb2, We1, be1, We2, be2):
    cw, sw, cw0, sw0, cw16, sw16 = map(jnp.asarray, _dft_consts())

    mat_spec = pl.BlockSpec((N_FFT, FREQ), lambda i: (0, 0))
    logits, x16 = pl.pallas_call(
        _gating_kernel,
        grid=(B // BT,),
        in_specs=[
            pl.BlockSpec((BT, L), lambda i: (i, 0)),
            mat_spec, mat_spec, mat_spec, mat_spec, mat_spec, mat_spec,
            pl.BlockSpec((FREQ, GH), lambda i: (0, 0)),
            pl.BlockSpec((1, GH), lambda i: (0, 0)),
            pl.BlockSpec((GH, E), lambda i: (0, 0)),
            pl.BlockSpec((1, E), lambda i: (0, 0)),
        ],
        out_specs=[
            pl.BlockSpec((BT, E), lambda i: (i, 0)),
            pl.BlockSpec((BT, L), lambda i: (i, 0)),
        ],
        out_shape=[
            jax.ShapeDtypeStruct((B, E), jnp.float32),
            jax.ShapeDtypeStruct((B, L), jnp.bfloat16),
        ],
    )(x, cw, sw, cw0, sw0, cw16, sw16, gW1, gb1.reshape(1, GH), gW2,
      gb2.reshape(1, E))
    wmat = _router_sc(logits)
    w1cat = We1.transpose(1, 0, 2).reshape(L, E * HE).astype(jnp.bfloat16)
    b1cat = be1.reshape(1, E * HE)
    w2stack = We2.reshape(E * HE, OUT).astype(jnp.bfloat16)
    sel = np.zeros((E // EG, E, GW), dtype=np.float32)
    for g in range(E // EG):
        for j in range(EG):
            sel[g, EG * g + j, HE * j:HE * (j + 1)] = 1.0
    sel = jnp.asarray(sel)

    out = pl.pallas_call(
        _expert_kernel,
        grid=(E // EG,),
        in_specs=[
            pl.BlockSpec((B, L), lambda g: (0, 0)),
            pl.BlockSpec((L, GW), lambda g: (0, g)),
            pl.BlockSpec((1, GW), lambda g: (0, g)),
            pl.BlockSpec((1, E, GW), lambda g: (g, 0, 0)),
            pl.BlockSpec((GW, OUT), lambda g: (g, 0)),
            pl.BlockSpec((E, OUT), lambda g: (0, 0)),
            pl.BlockSpec((B, E), lambda g: (0, 0)),
        ],
        out_specs=pl.BlockSpec((B, OUT), lambda g: (0, 0)),
        out_shape=jax.ShapeDtypeStruct((B, OUT), jnp.float32),
    )(x16, w1cat, b1cat, sel, w2stack, be2, wmat)
    return out

# --- scband reference (transcript-rebuilt; emitter-appended) ---
"""Pipeline reference for scband-custom-mo-ebranch-9586367004756 (READ-ONLY COPY).

The authoritative reference and input builder live on the scoring server;
editing this copy changes nothing except your own understanding.
"""

import jax, jax.numpy as jnp
import numpy as np

N_FFT = 256
HOP = 128
E = 16
K = 2
GH = 256
HE = 64
OUT = 64
B = 1024
L = 2048
FREQ = N_FFT // 2 + 1


def stft_mag(x):
    # mimics torch.stft(center=True, pad_mode='reflect', hann periodic window, onesided)
    pad = N_FFT // 2
    xp = jnp.pad(x, ((0, 0), (pad, pad)), mode='reflect')
    win = 0.5 * (1.0 - jnp.cos(2.0 * jnp.pi * jnp.arange(N_FFT) / N_FFT))
    n_frames = 1 + (xp.shape[1] - N_FFT) // HOP
    idx = jnp.arange(n_frames)[:, None] * HOP + jnp.arange(N_FFT)[None, :]
    frames = xp[:, idx] * win[None, None, :]  # [B, frames, n_fft]
    spec = jnp.fft.rfft(frames, axis=-1)  # [B, frames, freq]
    mag = jnp.abs(spec)
    return jnp.transpose(mag, (0, 2, 1))  # [B, freq, frames]


def setup_inputs(seed: int = 0) -> dict:
    key = jax.random.key(seed)
    ks = jax.random.split(key, 8)
    x = jax.random.normal(ks[0], (B, L), dtype=jnp.float32)
    gW1 = jax.random.normal(ks[1], (FREQ, GH), dtype=jnp.float32) * 0.05
    gb1 = jnp.zeros((GH,), dtype=jnp.float32)
    gW2 = jax.random.normal(ks[2], (GH, E), dtype=jnp.float32) * 0.05
    gb2 = jnp.zeros((E,), dtype=jnp.float32)
    We1 = jax.random.normal(ks[3], (E, L, HE), dtype=jnp.float32) * 0.02
    be1 = jnp.zeros((E, HE), dtype=jnp.float32)
    We2 = jax.random.normal(ks[4], (E, HE, OUT), dtype=jnp.float32) * 0.05
    be2 = jnp.zeros((E, OUT), dtype=jnp.float32)
    return {"x": x, "gW1": gW1, "gb1": gb1, "gW2": gW2, "gb2": gb2,
            "We1": We1, "be1": be1, "We2": We2, "be2": be2}


def reference(x, gW1, gb1, gW2, gb2, We1, be1, We2, be2):
    # gating on frequency-domain features (no grad through STFT, as in torch.no_grad)
    mag = jax.lax.stop_gradient(stft_mag(x))  # [B, FREQ, frames]
    pooled = jnp.mean(mag, axis=-1)  # adaptive_avg_pool1d(x, 1).squeeze(-1)
    h = jax.nn.relu(pooled @ gW1 + gb1)
    logits = h @ gW2 + gb2  # [B, E]
    topw, topi = jax.lax.top_k(logits, K)  # [B, K]
    weights = jax.nn.softmax(topw, axis=1)
    # experts (MultiScalePyramidBranch approximated as 2-layer MLP per expert)
    eh = jax.nn.relu(jnp.einsum('bl,elh->ebh', x, We1) + be1[:, None, :])
    eo = jnp.einsum('ebh,eho->ebo', eh, We2) + be2[:, None, :]  # [E, B, OUT]
    # weighted top-k combine (gather by expert index per sample)
    gathered = eo[topi, jnp.arange(x.shape[0])[:, None], :]  # [B, K, OUT]
    final = jnp.sum(weights[..., None] * gathered, axis=1)  # [B, OUT]
    return final

if __name__ == "__main__":
    import jax
    _d = setup_inputs()
    print(jax.jit(kernel)(*tuple(_d.values())))

</pallas_src>

<mosaic_0001>
#map = affine_map<(d0, d1) -> (0, 0)>
module attributes {stable_mosaic.version = 14 : i64} {
  func.func @_router_sc_body(%arg0: i32, %arg1: i32, %arg2: memref<1024x16xf32, #tpu.memory_space<hbm>>, %arg3: memref<1x16xf32, #tpu.memory_space<hbm>>, %arg4: memref<1024x16xf32, #tpu.memory_space<hbm>>) attributes {dimension_semantics = [#tpu.dimension_semantics<core_parallel>, #tpu.dimension_semantics<subcore_parallel>], iteration_bounds = array<i64: 2, 16>, scalar_prefetch = 0 : i64, scratch_operands = 0 : i64, tpu.core_type = #tpu.core_type<sc_vector_subcore>, window_params = [{transform_indices = #map}, {transform_indices = #map}, {transform_indices = #map}]} {
    %mul3A = arith.constant 1 : i32
    %mul3A_0 = arith.muli %arg1, %mul3A : i32
    %add3A = arith.constant 0 : i32
    %add3A_1 = arith.addi %add3A, %mul3A_0 : i32
    %mul3A_2 = arith.constant 16 : i32
    %mul3A_3 = arith.muli %arg0, %mul3A_2 : i32
    %add3A_4 = arith.addi %add3A_1, %mul3A_3 : i32
    %mul3A_5 = arith.constant 1 : i32
    %mul3A_6 = arith.muli %add3A_4, %mul3A_5 : i32
    "tpu.region"() ({
      %run_scoped3A = memref.alloca() : memref<2x32x16xf32, #tpu.memory_space<vmem>>
      %run_scoped3A_7 = tpu.sem_alloc : memref<2x!tpu.dma_semaphore, #tpu.memory_space<semaphore_mem>>
      %run_scoped3A_8 = memref.alloca() : memref<1x16xf32, #tpu.memory_space<vmem>>
      %run_scoped3A_9 = memref.alloca() : memref<2x32x16xf32, #tpu.memory_space<vmem>>
      %run_scoped3A_10 = tpu.sem_alloc : memref<2x!tpu.dma_semaphore, #tpu.memory_space<semaphore_mem>>
      %add3A_11 = arith.constant 0 : i32
      %add3A_12 = arith.addi %add3A_11, %mul3A_6 : i32
      %select_n3A = arith.constant true
      %select_n3A_13 = arith.constant 0 : i32
      %select_n3A_14 = arith.constant -1 : i32
      %select_n3A_15 = arith.select %select_n3A, %select_n3A_14, %select_n3A_13 : i32
      %eq3A = arith.constant -1 : i32
      %eq3A_16 = arith.cmpi eq, %select_n3A_15, %eq3A : i32
      %select_n3A_17 = arith.constant 0 : i32
      %select_n3A_18 = arith.select %eq3A_16, %select_n3A_17, %select_n3A_15 : i32
      %add3A_19 = arith.constant 0 : i32
      %add3A_20 = arith.addi %add3A_19, %mul3A_6 : i32
      %select_n3A_21 = arith.constant true
      %select_n3A_22 = arith.constant 0 : i32
      %select_n3A_23 = arith.constant 1 : i32
      %select_n3A_24 = arith.select %select_n3A_21, %select_n3A_23, %select_n3A_22 : i32
      %eq3A_25 = arith.constant 1 : i32
      %eq3A_26 = arith.cmpi eq, %select_n3A_24, %eq3A_25 : i32
      %select_n3A_27 = arith.constant 0 : i32
      %select_n3A_28 = arith.select %eq3A_26, %select_n3A_27, %select_n3A_24 : i32
      %add3A_29 = arith.constant 0 : i32
      %add3A_30 = arith.addi %add3A_29, %mul3A_6 : i32
      %select_n3A_31 = arith.constant true
      %select_n3A_32 = arith.constant 0 : i32
      %select_n3A_33 = arith.constant 1 : i32
      %select_n3A_34 = arith.select %select_n3A_31, %select_n3A_33, %select_n3A_32 : i32
      %eq3A_35 = arith.constant 1 : i32
      %eq3A_36 = arith.cmpi eq, %select_n3A_34, %eq3A_35 : i32
      %select_n3A_37 = arith.constant 0 : i32
      %select_n3A_38 = arith.select %eq3A_36, %select_n3A_37, %select_n3A_34 : i32
      %add3A_39 = arith.constant 0 : i32
      %add3A_40 = arith.addi %add3A_39, %mul3A_6 : i32
      "tpu.region"() ({
        %run_scoped3A_291 = tpu.sem_alloc : memref<!tpu.dma_semaphore, #tpu.memory_space<semaphore_mem>>
        tpu.enqueue_dma source(%arg3 : memref<1x16xf32, #tpu.memory_space<hbm>>) target(%run_scoped3A_8 : memref<1x16xf32, #tpu.memory_space<vmem>>) target_semaphore(%run_scoped3A_291 : memref<!tpu.dma_semaphore, #tpu.memory_space<semaphore_mem>>)
        tpu.wait_dma2 semaphore(%run_scoped3A_291 : memref<!tpu.dma_semaphore, #tpu.memory_space<semaphore_mem>>) src(%arg3 : memref<1x16xf32, #tpu.memory_space<hbm>>) dst(%run_scoped3A_8 : memref<1x16xf32, #tpu.memory_space<vmem>>)
        tpu.yield
      }) : () -> ()
      "tpu.trace_start"() <{level = 10 : i32, message = "ep_initialize_0"}> : () -> ()
      %rem3A = arith.constant 0 : i32
      %rem3A_41 = arith.constant 2 : i32
      %rem3A_42 = arith.remui %rem3A, %rem3A_41 : i32
      %mul3A_43 = arith.constant 32 : i32
      %mul3A_44 = arith.muli %mul3A_43, %add3A_12 : i32
      %dma_start3A = arith.constant 0 : i32
      %dma_start3A_45 = arith.constant 0 : i32
      %dma_start3A_46 = tpu.memref_slice %run_scoped3A[%rem3A_42, %dma_start3A, %dma_start3A_45] : memref<2x32x16xf32, #tpu.memory_space<vmem>> -> memref<1x32x16xf32, #tpu.memory_space<vmem>>
      %dma_start3A_47 = tpu.memref_squeeze %dma_start3A_46 : memref<1x32x16xf32, #tpu.memory_space<vmem>> -> memref<32x16xf32, #tpu.memory_space<vmem>>
      %dma_start3A_48 = arith.constant 0 : i32
      %dma_start3A_49 = tpu.memref_slice %arg2[%mul3A_44, %dma_start3A_48] : memref<1024x16xf32, #tpu.memory_space<hbm>> -> memref<32x16xf32, #tpu.memory_space<hbm>>
      %dma_start3A_50 = tpu.memref_slice %run_scoped3A_7[%rem3A_42] : memref<2x!tpu.dma_semaphore, #tpu.memory_space<semaphore_mem>> -> memref<1x!tpu.dma_semaphore, #tpu.memory_space<semaphore_mem>>
      %dma_start3A_51 = tpu.memref_squeeze %dma_start3A_50 : memref<1x!tpu.dma_semaphore, #tpu.memory_space<semaphore_mem>> -> memref<!tpu.dma_semaphore, #tpu.memory_space<semaphore_mem>>
      %dma_start3A_52 = arith.constant 0 : i32
      %dma_start3A_53 = arith.constant 0 : i32
      %dma_start3A_54 = tpu.memref_slice %run_scoped3A[%rem3A_42, %dma_start3A_52, %dma_start3A_53] : memref<2x32x16xf32, #tpu.memory_space<vmem>> -> memref<1x32x16xf32, #tpu.memory_space<vmem>>
      %dma_start3A_55 = tpu.memref_squeeze %dma_start3A_54 : memref<1x32x16xf32, #tpu.memory_space<vmem>> -> memref<32x16xf32, #tpu.memory_space<vmem>>
      %dma_start3A_56 = arith.constant 0 : i32
      %dma_start3A_57 = tpu.memref_slice %arg2[%mul3A_44, %dma_start3A_56] : memref<1024x16xf32, #tpu.memory_space<hbm>> -> memref<32x16xf32, #tpu.memory_space<hbm>>
      tpu.enqueue_dma source(%dma_start3A_57 : memref<32x16xf32, #tpu.memory_space<hbm>>) target(%dma_start3A_55 : memref<32x16xf32, #tpu.memory_space<vmem>>) target_semaphore(%dma_start3A_51 : memref<!tpu.dma_semaphore, #tpu.memory_space<semaphore_mem>>)
      %add3A_58 = arith.constant 0 : i32
      %add3A_59 = arith.constant 1 : i32
      %add3A_60 = arith.addi %add3A_58, %add3A_59 : i32
      %select_n3A_61 = arith.constant true
      %select_n3A_62 = arith.constant 0 : i32
      %select_n3A_63 = arith.select %select_n3A_61, %add3A_60, %select_n3A_62 : i32
      "tpu.trace_stop"() : () -> ()
      %scan3A = arith.constant 0 : i32
      %scan3A_64 = arith.constant 0 : i32
      %scan3A_65 = arith.constant 0 : i32
      %scan3A_66 = arith.constant 0 : i32
      %scan3A_67 = arith.constant 0 : i32
      %scan3A_68 = arith.constant 0 : i32
      %scan3A_69 = arith.constant 0 : i32
      %eq3A_70 = arith.constant 0 : i32
      %eq3A_71 = arith.cmpi eq, %scan3A_69, %eq3A_70 : i32
      %eq3A_72 = arith.constant 0 : i32
      %eq3A_73 = arith.cmpi eq, %scan3A_69, %eq3A_72 : i32
      %add3A_74 = arith.constant 0 : i32
      %add3A_75 = arith.addi %add3A_74, %mul3A_6 : i32
      %select_n3A_76 = arith.constant true
      %select_n3A_77 = arith.constant 0 : i32
      %select_n3A_78 = arith.constant -1 : i32
      %select_n3A_79 = arith.select %select_n3A_76, %select_n3A_78, %select_n3A_77 : i32
      %eq3A_80 = arith.constant -1 : i32
      %eq3A_81 = arith.cmpi eq, %select_n3A_79, %eq3A_80 : i32
      %select_n3A_82 = arith.constant 0 : i32
      %select_n3A_83 = arith.select %eq3A_81, %select_n3A_82, %select_n3A_79 : i32
      %add3A_84 = arith.constant 0 : i32
      %add3A_85 = arith.addi %add3A_84, %mul3A_6 : i32
      %select_n3A_86 = arith.constant true
      %select_n3A_87 = arith.constant 0 : i32
      %select_n3A_88 = arith.constant 1 : i32
      %select_n3A_89 = arith.select %select_n3A_86, %select_n3A_88, %select_n3A_87 : i32
      %eq3A_90 = arith.constant 1 : i32
      %eq3A_91 = arith.cmpi eq, %select_n3A_89, %eq3A_90 : i32
      %select_n3A_92 = arith.constant 0 : i32
      %select_n3A_93 = arith.select %eq3A_91, %select_n3A_92, %select_n3A_89 : i32
      %add3A_94 = arith.constant 0 : i32
      %add3A_95 = arith.addi %add3A_94, %mul3A_6 : i32
      %select_n3A_96 = arith.constant true
      %select_n3A_97 = arith.constant 0 : i32
      %select_n3A_98 = arith.constant 1 : i32
      %select_n3A_99 = arith.select %select_n3A_96, %select_n3A_98, %select_n3A_97 : i32
      %eq3A_100 = arith.constant 1 : i32
      %eq3A_101 = arith.cmpi eq, %select_n3A_99, %eq3A_100 : i32
      %select_n3A_102 = arith.constant 0 : i32
      %select_n3A_103 = arith.select %eq3A_101, %select_n3A_102, %select_n3A_99 : i32
      %add3A_104 = arith.constant 0 : i32
      %add3A_105 = arith.addi %add3A_104, %mul3A_6 : i32
      %ne3A = arith.cmpi ne, %add3A_75, %add3A_95 : i32
      %or3A = arith.constant false
      %or3A_106 = arith.ori %or3A, %ne3A : i1
      %or3A_107 = arith.constant false
      %or3A_108 = arith.ori %or3A_106, %or3A_107 : i1
      %ge3A = arith.constant 0 : i32
      %ge3A_109 = arith.cmpi sge, %scan3A_69, %ge3A : i32
      %not3A = arith.constant true
      %not3A_110 = arith.xori %ge3A_109, %not3A : i1
      %and3A = arith.andi %or3A_108, %not3A_110 : i1
      %convert_element_type3A = arith.extui %and3A : i1 to i32
      %cond3A = arith.constant 0 : i32
      %cond3A_111 = arith.cmpi ne, %convert_element_type3A, %cond3A : i32
      scf.if %cond3A_111 {
        "tpu.trace_start"() <{level = 10 : i32, message = "ep_copy_in"}> : () -> ()
        %rem3A_291 = arith.constant 2 : i32
        %rem3A_292 = arith.remui %select_n3A_63, %rem3A_291 : i32
        %mul3A_293 = arith.constant 32 : i32
        %mul3A_294 = arith.muli %mul3A_293, %add3A_95 : i32
        %dma_start3A_295 = arith.constant 0 : i32
        %dma_start3A_296 = arith.constant 0 : i32
        %dma_start3A_297 = tpu.memref_slice %run_scoped3A[%rem3A_292, %dma_start3A_295, %dma_start3A_296] : memref<2x32x16xf32, #tpu.memory_space<vmem>> -> memref<1x32x16xf32, #tpu.memory_space<vmem>>
        %dma_start3A_298 = tpu.memref_squeeze %dma_start3A_297 : memref<1x32x16xf32, #tpu.memory_space<vmem>> -> memref<32x16xf32, #tpu.memory_space<vmem>>
        %dma_start3A_299 = arith.constant 0 : i32
        %dma_start3A_300 = tpu.memref_slice %arg2[%mul3A_294, %dma_start3A_299] : memref<1024x16xf32, #tpu.memory_space<hbm>> -> memref<32x16xf32, #tpu.memory_space<hbm>>
        %dma_start3A_301 = tpu.memref_slice %run_scoped3A_7[%rem3A_292] : memref<2x!tpu.dma_semaphore, #tpu.memory_space<semaphore_mem>> -> memref<1x!tpu.dma_semaphore, #tpu.memory_space<semaphore_mem>>
        %dma_start3A_302 = tpu.memref_squeeze %dma_start3A_301 : memref<1x!tpu.dma_semaphore, #tpu.memory_space<semaphore_mem>> -> memref<!tpu.dma_semaphore, #tpu.memory_space<semaphore_mem>>
        %dma_start3A_303 = arith.constant 0 : i32
        %dma_start3A_304 = arith.constant 0 : i32
        %dma_start3A_305 = tpu.memref_slice %run_scoped3A[%rem3A_292, %dma_start3A_303, %dma_start3A_304] : memref<2x32x16xf32, #tpu.memory_space<vmem>> -> memref<1x32x16xf32, #tpu.memory_space<vmem>>
        %dma_start3A_306 = tpu.memref_squeeze %dma_start3A_305 : memref<1x32x16xf32, #tpu.memory_space<vmem>> -> memref<32x16xf32, #tpu.memory_space<vmem>>
        %dma_start3A_307 = arith.constant 0 : i32
        %dma_start3A_308 = tpu.memref_slice %arg2[%mul3A_294, %dma_start3A_307] : memref<1024x16xf32, #tpu.memory_space<hbm>> -> memref<32x16xf32, #tpu.memory_space<hbm>>
        tpu.enqueue_dma source(%dma_start3A_308 : memref<32x16xf32, #tpu.memory_space<hbm>>) target(%dma_start3A_306 : memref<32x16xf32, #tpu.memory_space<vmem>>) target_semaphore(%dma_start3A_302 : memref<!tpu.dma_semaphore, #tpu.memory_space<semaphore_mem>>)
        "tpu.trace_stop"() : () -> ()
      } else {
      }
      %and3A_112 = arith.constant true
      %and3A_113 = arith.andi %and3A, %and3A_112 : i1
      %add3A_114 = arith.constant 1 : i32
      %add3A_115 = arith.addi %select_n3A_63, %add3A_114 : i32
      %select_n3A_116 = arith.select %and3A_113, %add3A_115, %select_n3A_63 : i32
      %ne3A_117 = arith.cmpi ne, %add3A_75, %add3A_95 : i32
      %or3A_118 = arith.constant false
      %or3A_119 = arith.ori %or3A_118, %ne3A_117 : i1
      %or3A_120 = arith.constant false
      %or3A_121 = arith.ori %or3A_119, %or3A_120 : i1
      %ge3A_122 = arith.constant 0 : i32
      %ge3A_123 = arith.cmpi sge, %scan3A_69, %ge3A_122 : i32
      %not3A_124 = arith.constant true
      %not3A_125 = arith.xori %ge3A_123, %not3A_124 : i1
      %and3A_126 = arith.andi %or3A_121, %not3A_125 : i1
      %ne3A_127 = arith.cmpi ne, %add3A_75, %add3A_85 : i32
      %or3A_128 = arith.constant false
      %or3A_129 = arith.ori %or3A_128, %ne3A_127 : i1
      %or3A_130 = arith.constant false
      %or3A_131 = arith.ori %or3A_129, %or3A_130 : i1
      %or3A_132 = arith.ori %or3A_131, %eq3A_71 : i1
      %convert_element_type3A_133 = arith.extui %or3A_132 : i1 to i32
      %cond3A_134 = arith.constant 0 : i32
      %cond3A_135 = arith.cmpi ne, %convert_element_type3A_133, %cond3A_134 : i32
      scf.if %cond3A_135 {
        "tpu.trace_start"() <{level = 10 : i32, message = "ep_wait_in"}> : () -> ()
        %mul3A_291 = arith.constant 32 : i32
        %mul3A_292 = arith.muli %mul3A_291, %add3A_75 : i32
        %rem3A_293 = arith.constant 2 : i32
        %rem3A_294 = arith.remui %scan3A_64, %rem3A_293 : i32
        %dma_wait3A_295 = arith.constant 0 : i32
        %dma_wait3A_296 = arith.constant 0 : i32
        %dma_wait3A_297 = tpu.memref_slice %run_scoped3A[%rem3A_294, %dma_wait3A_295, %dma_wait3A_296] : memref<2x32x16xf32, #tpu.memory_space<vmem>> -> memref<1x32x16xf32, #tpu.memory_space<vmem>>
        %dma_wait3A_298 = tpu.memref_squeeze %dma_wait3A_297 : memref<1x32x16xf32, #tpu.memory_space<vmem>> -> memref<32x16xf32, #tpu.memory_space<vmem>>
        %dma_wait3A_299 = arith.constant 0 : i32
        %dma_wait3A_300 = tpu.memref_slice %arg2[%mul3A_292, %dma_wait3A_299] : memref<1024x16xf32, #tpu.memory_space<hbm>> -> memref<32x16xf32, #tpu.memory_space<hbm>>
        %dma_wait3A_301 = tpu.memref_slice %run_scoped3A_7[%rem3A_294] : memref<2x!tpu.dma_semaphore, #tpu.memory_space<semaphore_mem>> -> memref<1x!tpu.dma_semaphore, #tpu.memory_space<semaphore_mem>>
        %dma_wait3A_302 = tpu.memref_squeeze %dma_wait3A_301 : memref<1x!tpu.dma_semaphore, #tpu.memory_space<semaphore_mem>> -> memref<!tpu.dma_semaphore, #tpu.memory_space<semaphore_mem>>
        %dma_wait3A_303 = arith.constant 0 : i32
        %dma_wait3A_304 = arith.constant 0 : i32
        %dma_wait3A_305 = tpu.memref_slice %run_scoped3A[%rem3A_294, %dma_wait3A_303, %dma_wait3A_304] : memref<2x32x16xf32, #tpu.memory_space<vmem>> -> memref<1x32x16xf32, #tpu.memory_space<vmem>>
        %dma_wait3A_306 = tpu.memref_squeeze %dma_wait3A_305 : memref<1x32x16xf32, #tpu.memory_space<vmem>> -> memref<32x16xf32, #tpu.memory_space<vmem>>
        %dma_wait3A_307 = arith.constant 0 : i32
        %dma_wait3A_308 = tpu.memref_slice %arg2[%mul3A_292, %dma_wait3A_307] : memref<1024x16xf32, #tpu.memory_space<hbm>> -> memref<32x16xf32, #tpu.memory_space<hbm>>
        tpu.wait_dma2 semaphore(%dma_wait3A_302 : memref<!tpu.dma_semaphore, #tpu.memory_space<semaphore_mem>>) src(%dma_wait3A_308 : memref<32x16xf32, #tpu.memory_space<hbm>>) dst(%dma_wait3A_306 : memref<32x16xf32, #tpu.memory_space<vmem>>)
        "tpu.trace_stop"() : () -> ()
      } else {
      }
      %ne3A_136 = arith.cmpi ne, %add3A_75, %add3A_85 : i32
      %or3A_137 = arith.constant false
      %or3A_138 = arith.ori %or3A_137, %ne3A_136 : i1
      %or3A_139 = arith.constant false
      %or3A_140 = arith.ori %or3A_138, %or3A_139 : i1
      %or3A_141 = arith.ori %or3A_140, %eq3A_71 : i1
      %convert_element_type3A_142 = arith.extui %or3A_141 : i1 to i32
      %cond3A_143 = arith.constant 0 : i32
      %cond3A_144 = arith.cmpi ne, %convert_element_type3A_142, %cond3A_143 : i32
      scf.if %cond3A_144 {
      } else {
      }
      %rem3A_145 = arith.constant 2 : i32
      %rem3A_146 = arith.remui %scan3A_64, %rem3A_145 : i32
      %rem3A_147 = arith.constant 2 : i32
      %rem3A_148 = arith.remui %scan3A_66, %rem3A_147 : i32
      %get3A = arith.constant 0 : i32
      "tpu.trace_start"() <{level = 10 : i32, message = "ep_run_kernel"}> : () -> ()
      %get3A_149 = arith.index_cast %get3A : i32 to index
      %get3A_150 = arith.constant 0 : index
      %get3A_151 = tpu.vector_load %run_scoped3A_8[%get3A_149, %get3A_150] {strides = array<i32>} : memref<1x16xf32, #tpu.memory_space<vmem>>, vector<16xf32>,
      %scan3A_152 = arith.constant 0 : i32
      %scan3A_153 = arith.constant 32 : i32
      %scan3A_154 = arith.addi %scan3A_152, %scan3A_153 : i32
      %scan3A_155 = arith.constant 1 : i32
      scf.for %scan3A_291 = %scan3A_152 to %scan3A_154 step %scan3A_155  : i32 {
        %mul3A_292 = arith.constant 1 : i32
        %mul3A_293 = arith.muli %scan3A_291, %mul3A_292 : i32
        %add3A_294 = arith.constant 0 : i32
        %add3A_295 = arith.addi %add3A_294, %mul3A_293 : i32
        %get3A_296 = arith.constant 0 : i32
        %get3A_297 = arith.constant 0 : i32
        %get3A_298 = tpu.memref_slice %run_scoped3A[%rem3A_146, %get3A_296, %get3A_297] : memref<2x32x16xf32, #tpu.memory_space<vmem>> -> memref<1x32x16xf32, #tpu.memory_space<vmem>>
        %get3A_299 = tpu.memref_squeeze %get3A_298 : memref<1x32x16xf32, #tpu.memory_space<vmem>> -> memref<32x16xf32, #tpu.memory_space<vmem>>
        %get3A_300 = arith.index_cast %add3A_295 : i32 to index
        %get3A_301 = arith.constant 0 : index
        %get3A_302 = tpu.vector_load %get3A_299[%get3A_300, %get3A_301] {strides = array<i32>} : memref<32x16xf32, #tpu.memory_space<vmem>>, vector<16xf32>,
        %reduce_max3A = arith.constant true
        %reduce_max3A_303 = vector.broadcast %reduce_max3A : i1 to vector<16xi1>
        %reduce_max3A_304 = tpu.scan <max>, %get3A_302 masked %reduce_max3A_303 : vector<16xf32>, vector<16xi1> -> vector<16xf32>
        %reduce_max3A_305 = vector.extract %reduce_max3A_304[15] : f32 from vector<16xf32>
        %eq3A_306 = vector.broadcast %reduce_max3A_305 : f32 to vector<16xf32>
        %eq3A_307 = arith.cmpf oeq, %get3A_302, %eq3A_306 : vector<16xf32>
        %jit3A = arith.constant 1.600000e+01 : f32
        %broadcast_in_dim3A = vector.broadcast %jit3A : f32 to vector<16xf32>
        %select_n3A_308 = arith.select %eq3A_307, %get3A_151, %broadcast_in_dim3A : vector<16xi1>, vector<16xf32>
        %reduce_min3A = arith.constant true
        %reduce_min3A_309 = vector.broadcast %reduce_min3A : i1 to vector<16xi1>
        %reduce_min3A_310 = tpu.scan <min>, %select_n3A_308 masked %reduce_min3A_309 : vector<16xf32>, vector<16xi1> -> vector<16xf32>
        %reduce_min3A_311 = vector.extract %reduce_min3A_310[15] : f32 from vector<16xf32>
        %eq3A_312 = vector.broadcast %reduce_min3A_311 : f32 to vector<16xf32>
        %eq3A_313 = arith.cmpf oeq, %get3A_151, %eq3A_312 : vector<16xf32>
        %jit3A_314 = arith.constant -1.000000e+30 : f32
        %broadcast_in_dim3A_315 = vector.broadcast %jit3A_314 : f32 to vector<16xf32>
        %select_n3A_316 = arith.select %eq3A_313, %broadcast_in_dim3A_315, %get3A_302 : vector<16xi1>, vector<16xf32>
        %reduce_max3A_317 = arith.constant true
        %reduce_max3A_318 = vector.broadcast %reduce_max3A_317 : i1 to vector<16xi1>
        %reduce_max3A_319 = tpu.scan <max>, %select_n3A_316 masked %reduce_max3A_318 : vector<16xf32>, vector<16xi1> -> vector<16xf32>
        %reduce_max3A_320 = vector.extract %reduce_max3A_319[15] : f32 from vector<16xf32>
        %eq3A_321 = vector.broadcast %reduce_max3A_320 : f32 to vector<16xf32>
        %eq3A_322 = arith.cmpf oeq, %select_n3A_316, %eq3A_321 : vector<16xf32>
        %jit3A_323 = arith.constant 1.600000e+01 : f32
        %broadcast_in_dim3A_324 = vector.broadcast %jit3A_323 : f32 to vector<16xf32>
        %select_n3A_325 = arith.select %eq3A_322, %get3A_151, %broadcast_in_dim3A_324 : vector<16xi1>, vector<16xf32>
        %reduce_min3A_326 = arith.constant true
        %reduce_min3A_327 = vector.broadcast %reduce_min3A_326 : i1 to vector<16xi1>
        %reduce_min3A_328 = tpu.scan <min>, %select_n3A_325 masked %reduce_min3A_327 : vector<16xf32>, vector<16xi1> -> vector<16xf32>
        %reduce_min3A_329 = vector.extract %reduce_min3A_328[15] : f32 from vector<16xf32>
        %eq3A_330 = vector.broadcast %reduce_min3A_329 : f32 to vector<16xf32>
        %eq3A_331 = arith.cmpf oeq, %get3A_151, %eq3A_330 : vector<16xf32>
        %mul3A_332 = arith.constant 0.000000e+00 : f32
        %mul3A_333 = vector.broadcast %mul3A_332 : f32 to vector<16xf32>
        %mul3A_334 = arith.mulf %get3A_302, %mul3A_333 : vector<16xf32>
        %sub3A_335 = arith.subf %reduce_max3A_320, %reduce_max3A_305 : f32
        %add3A_336 = vector.broadcast %sub3A_335 : f32 to vector<16xf32>
        %add3A_337 = arith.addf %mul3A_334, %add3A_336 : vector<16xf32>
        %exp3A = math.exp %add3A_337 : vector<16xf32>
        %add3A_338 = arith.constant 1.000000e+00 : f32
        %add3A_339 = vector.broadcast %add3A_338 : f32 to vector<16xf32>
        %add3A_340 = arith.addf %add3A_339, %exp3A : vector<16xf32>
        %div3A = arith.constant 1.000000e+00 : f32
        %div3A_341 = vector.broadcast %div3A : f32 to vector<16xf32>
        %div3A_342 = arith.divf %div3A_341, %add3A_340 : vector<16xf32>
        %mul3A_343 = arith.mulf %exp3A, %div3A_342 : vector<16xf32>
        %jit3A_344 = arith.constant 0.000000e+00 : f32
        %broadcast_in_dim3A_345 = vector.broadcast %jit3A_344 : f32 to vector<16xf32>
        %select_n3A_346 = arith.select %eq3A_313, %div3A_342, %broadcast_in_dim3A_345 : vector<16xi1>, vector<16xf32>
        %jit3A_347 = arith.constant 0.000000e+00 : f32
        %broadcast_in_dim3A_348 = vector.broadcast %jit3A_347 : f32 to vector<16xf32>
        %select_n3A_349 = arith.select %eq3A_331, %mul3A_343, %broadcast_in_dim3A_348 : vector<16xi1>, vector<16xf32>
        %add3A_350 = arith.addf %select_n3A_346, %select_n3A_349 : vector<16xf32>
        %swap3A = arith.constant 0 : i32
        %swap3A_351 = arith.constant 0 : i32
        %swap3A_352 = tpu.memref_slice %run_scoped3A_9[%rem3A_148, %swap3A, %swap3A_351] : memref<2x32x16xf32, #tpu.memory_space<vmem>> -> memref<1x32x16xf32, #tpu.memory_space<vmem>>
        %swap3A_353 = tpu.memref_squeeze %swap3A_352 : memref<1x32x16xf32, #tpu.memory_space<vmem>> -> memref<32x16xf32, #tpu.memory_space<vmem>>
        %swap3A_354 = arith.index_cast %add3A_295 : i32 to index
        %swap3A_355 = arith.constant 0 : index
        %swap3A_356 = tpu.vector_load %swap3A_353[%swap3A_354, %swap3A_355] {strides = array<i32>} : memref<32x16xf32, #tpu.memory_space<vmem>>, vector<16xf32>,
        tpu.vector_store %swap3A_353[%swap3A_354, %swap3A_355], %add3A_350 {strides = array<i32>} : memref<32x16xf32, #tpu.memory_space<vmem>>, vector<16xf32>,
      }
      %scan3A_156 = arith.constant 32 : i32
      "tpu.trace_stop"() : () -> ()
      %ne3A_157 = arith.cmpi ne, %add3A_75, %add3A_95 : i32
      %or3A_158 = arith.constant false
      %or3A_159 = arith.ori %or3A_158, %ne3A_157 : i1
      %or3A_160 = arith.constant false
      %or3A_161 = arith.ori %or3A_159, %or3A_160 : i1
      %or3A_162 = arith.ori %or3A_161, %eq3A_73 : i1
      %convert_element_type3A_163 = arith.extui %or3A_162 : i1 to i32
      %cond3A_164 = arith.constant 0 : i32
      %cond3A_165 = arith.cmpi ne, %convert_element_type3A_163, %cond3A_164 : i32
      scf.if %cond3A_165 {
      } else {
      }
      %and3A_166 = arith.constant false
      %and3A_167 = arith.andi %or3A_162, %and3A_166 : i1
      %ne3A_168 = arith.cmpi ne, %add3A_75, %add3A_95 : i32
      %or3A_169 = arith.constant false
      %or3A_170 = arith.ori %or3A_169, %ne3A_168 : i1
      %or3A_171 = arith.constant false
      %or3A_172 = arith.ori %or3A_170, %or3A_171 : i1
      %or3A_173 = arith.ori %or3A_172, %eq3A_73 : i1
      %convert_element_type3A_174 = arith.extui %or3A_173 : i1 to i32
      %cond3A_175 = arith.constant 0 : i32
      %cond3A_176 = arith.cmpi ne, %convert_element_type3A_174, %cond3A_175 : i32
      scf.if %cond3A_176 {
        "tpu.trace_start"() <{level = 10 : i32, message = "ep_copy_out"}> : () -> ()
        %rem3A_291 = arith.constant 2 : i32
        %rem3A_292 = arith.remui %scan3A_66, %rem3A_291 : i32
        %mul3A_293 = arith.constant 32 : i32
        %mul3A_294 = arith.muli %mul3A_293, %add3A_75 : i32
        %dma_start3A_295 = arith.constant 0 : i32
        %dma_start3A_296 = arith.constant 0 : i32
        %dma_start3A_297 = tpu.memref_slice %run_scoped3A_9[%rem3A_292, %dma_start3A_295, %dma_start3A_296] : memref<2x32x16xf32, #tpu.memory_space<vmem>> -> memref<1x32x16xf32, #tpu.memory_space<vmem>>
        %dma_start3A_298 = tpu.memref_squeeze %dma_start3A_297 : memref<1x32x16xf32, #tpu.memory_space<vmem>> -> memref<32x16xf32, #tpu.memory_space<vmem>>
        %dma_start3A_299 = arith.constant 0 : i32
        %dma_start3A_300 = tpu.memref_slice %arg4[%mul3A_294, %dma_start3A_299] : memref<1024x16xf32, #tpu.memory_space<hbm>> -> memref<32x16xf32, #tpu.memory_space<hbm>>
        %dma_start3A_301 = tpu.memref_slice %run_scoped3A_10[%rem3A_292] : memref<2x!tpu.dma_semaphore, #tpu.memory_space<semaphore_mem>> -> memref<1x!tpu.dma_semaphore, #tpu.memory_space<semaphore_mem>>
        %dma_start3A_302 = tpu.memref_squeeze %dma_start3A_301 : memref<1x!tpu.dma_semaphore, #tpu.memory_space<semaphore_mem>> -> memref<!tpu.dma_semaphore, #tpu.memory_space<semaphore_mem>>
        %dma_start3A_303 = arith.constant 0 : i32
        %dma_start3A_304 = tpu.memref_slice %arg4[%mul3A_294, %dma_start3A_303] : memref<1024x16xf32, #tpu.memory_space<hbm>> -> memref<32x16xf32, #tpu.memory_space<hbm>>
        %dma_start3A_305 = arith.constant 0 : i32
        %dma_start3A_306 = arith.constant 0 : i32
        %dma_start3A_307 = tpu.memref_slice %run_scoped3A_9[%rem3A_292, %dma_start3A_305, %dma_start3A_306] : memref<2x32x16xf32, #tpu.memory_space<vmem>> -> memref<1x32x16xf32, #tpu.memory_space<vmem>>
        %dma_start3A_308 = tpu.memref_squeeze %dma_start3A_307 : memref<1x32x16xf32, #tpu.memory_space<vmem>> -> memref<32x16xf32, #tpu.memory_space<vmem>>
        tpu.enqueue_dma source(%dma_start3A_308 : memref<32x16xf32, #tpu.memory_space<vmem>>) target(%dma_start3A_304 : memref<32x16xf32, #tpu.memory_space<hbm>>) target_semaphore(%dma_start3A_302 : memref<!tpu.dma_semaphore, #tpu.memory_space<semaphore_mem>>)
        "tpu.trace_stop"() : () -> ()
      } else {
      }
      %and3A_177 = arith.constant true
      %and3A_178 = arith.andi %or3A_173, %and3A_177 : i1
      %add3A_179 = arith.constant 1 : i32
      %add3A_180 = arith.addi %scan3A_66, %add3A_179 : i32
      %select_n3A_181 = arith.select %and3A_178, %add3A_180, %scan3A_66 : i32
      %ne3A_182 = arith.cmpi ne, %add3A_75, %add3A_85 : i32
      %or3A_183 = arith.constant false
      %or3A_184 = arith.ori %or3A_183, %ne3A_182 : i1
      %or3A_185 = arith.constant false
      %or3A_186 = arith.ori %or3A_184, %or3A_185 : i1
      %not3A_187 = arith.constant true
      %not3A_188 = arith.xori %eq3A_71, %not3A_187 : i1
      %and3A_189 = arith.andi %or3A_186, %not3A_188 : i1
      %convert_element_type3A_190 = arith.extui %and3A_189 : i1 to i32
      %cond3A_191 = arith.constant 0 : i32
      %cond3A_192 = arith.cmpi ne, %convert_element_type3A_190, %cond3A_191 : i32
      scf.if %cond3A_192 {
      } else {
      }
      %and3A_193 = arith.constant false
      %and3A_194 = arith.andi %and3A_189, %and3A_193 : i1
      %ne3A_195 = arith.cmpi ne, %add3A_75, %add3A_85 : i32
      %or3A_196 = arith.constant false
      %or3A_197 = arith.ori %or3A_196, %ne3A_195 : i1
      %or3A_198 = arith.constant false
      %or3A_199 = arith.ori %or3A_197, %or3A_198 : i1
      %not3A_200 = arith.constant true
      %not3A_201 = arith.xori %eq3A_71, %not3A_200 : i1
      %and3A_202 = arith.andi %or3A_199, %not3A_201 : i1
      %convert_element_type3A_203 = arith.extui %and3A_202 : i1 to i32
      %cond3A_204 = arith.constant 0 : i32
      %cond3A_205 = arith.cmpi ne, %convert_element_type3A_203, %cond3A_204 : i32
      scf.if %cond3A_205 {
        "tpu.trace_start"() <{level = 10 : i32, message = "ep_wait_out"}> : () -> ()
        %rem3A_291 = arith.constant 2 : i32
        %rem3A_292 = arith.remui %scan3A_67, %rem3A_291 : i32
        %mul3A_293 = arith.constant 32 : i32
        %mul3A_294 = arith.muli %mul3A_293, %add3A_85 : i32
        %dma_wait3A_295 = arith.constant 0 : i32
        %dma_wait3A_296 = arith.constant 0 : i32
        %dma_wait3A_297 = tpu.memref_slice %run_scoped3A_9[%rem3A_292, %dma_wait3A_295, %dma_wait3A_296] : memref<2x32x16xf32, #tpu.memory_space<vmem>> -> memref<1x32x16xf32, #tpu.memory_space<vmem>>
        %dma_wait3A_298 = tpu.memref_squeeze %dma_wait3A_297 : memref<1x32x16xf32, #tpu.memory_space<vmem>> -> memref<32x16xf32, #tpu.memory_space<vmem>>
        %dma_wait3A_299 = arith.constant 0 : i32
        %dma_wait3A_300 = tpu.memref_slice %arg4[%mul3A_294, %dma_wait3A_299] : memref<1024x16xf32, #tpu.memory_space<hbm>> -> memref<32x16xf32, #tpu.memory_space<hbm>>
        %dma_wait3A_301 = tpu.memref_slice %run_scoped3A_10[%rem3A_292] : memref<2x!tpu.dma_semaphore, #tpu.memory_space<semaphore_mem>> -> memref<1x!tpu.dma_semaphore, #tpu.memory_space<semaphore_mem>>
        %dma_wait3A_302 = tpu.memref_squeeze %dma_wait3A_301 : memref<1x!tpu.dma_semaphore, #tpu.memory_space<semaphore_mem>> -> memref<!tpu.dma_semaphore, #tpu.memory_space<semaphore_mem>>
        %dma_wait3A_303 = arith.constant 0 : i32
        %dma_wait3A_304 = tpu.memref_slice %arg4[%mul3A_294, %dma_wait3A_303] : memref<1024x16xf32, #tpu.memory_space<hbm>> -> memref<32x16xf32, #tpu.memory_space<hbm>>
        %dma_wait3A_305 = arith.constant 0 : i32
        %dma_wait3A_306 = arith.constant 0 : i32
        %dma_wait3A_307 = tpu.memref_slice %run_scoped3A_9[%rem3A_292, %dma_wait3A_305, %dma_wait3A_306] : memref<2x32x16xf32, #tpu.memory_space<vmem>> -> memref<1x32x16xf32, #tpu.memory_space<vmem>>
        %dma_wait3A_308 = tpu.memref_squeeze %dma_wait3A_307 : memref<1x32x16xf32, #tpu.memory_space<vmem>> -> memref<32x16xf32, #tpu.memory_space<vmem>>
        tpu.wait_dma2 semaphore(%dma_wait3A_302 : memref<!tpu.dma_semaphore, #tpu.memory_space<semaphore_mem>>) src(%dma_wait3A_308 : memref<32x16xf32, #tpu.memory_space<vmem>>) dst(%dma_wait3A_304 : memref<32x16xf32, #tpu.memory_space<hbm>>)
        "tpu.trace_stop"() : () -> ()
      } else {
      }
      %and3A_206 = arith.constant true
      %and3A_207 = arith.andi %and3A_202, %and3A_206 : i1
      %add3A_208 = arith.constant 1 : i32
      %add3A_209 = arith.addi %scan3A_67, %add3A_208 : i32
      %select_n3A_210 = arith.select %and3A_207, %add3A_209, %scan3A_67 : i32
      %ne3A_211 = arith.cmpi ne, %add3A_75, %add3A_95 : i32
      %or3A_212 = arith.constant false
      %or3A_213 = arith.ori %or3A_212, %ne3A_211 : i1
      %or3A_214 = arith.constant false
      %or3A_215 = arith.ori %or3A_213, %or3A_214 : i1
      %or3A_216 = arith.ori %or3A_215, %eq3A_73 : i1
      %add3A_217 = arith.constant 1 : i32
      %add3A_218 = arith.addi %scan3A_64, %add3A_217 : i32
      %select_n3A_219 = arith.select %or3A_216, %add3A_218, %scan3A_64 : i32
      %or3A_220 = arith.constant false
      %or3A_221 = arith.ori %or3A_220, %eq3A_73 : i1
      %add3A_222 = arith.constant 1 : i32
      %add3A_223 = arith.addi %scan3A_65, %add3A_222 : i32
      %select_n3A_224 = arith.select %or3A_221, %add3A_223, %scan3A_65 : i32
      %select_n3A_225 = arith.constant true
      %select_n3A_226 = arith.constant 0 : i32
      %select_n3A_227 = arith.constant 1 : i32
      %select_n3A_228 = arith.select %select_n3A_225, %select_n3A_227, %select_n3A_226 : i32
      %eq3A_229 = arith.constant 1 : i32
      %eq3A_230 = arith.cmpi eq, %select_n3A_228, %eq3A_229 : i32
      %select_n3A_231 = arith.constant 0 : i32
      %select_n3A_232 = arith.select %eq3A_230, %select_n3A_231, %select_n3A_228 : i32
      %scan3A_233 = arith.constant 0 : i32
      %scan3A_234 = arith.constant 1 : i32
      %sub3A = arith.constant 1 : i32
      %sub3A_235 = arith.subi %scan3A_233, %sub3A : i32
      %select_n3A_236 = arith.constant true
      %select_n3A_237 = arith.select %select_n3A_236, %sub3A_235, %scan3A_233 : i32
      %eq3A_238 = arith.constant -1 : i32
      %eq3A_239 = arith.cmpi eq, %select_n3A_237, %eq3A_238 : i32
      %select_n3A_240 = arith.constant 0 : i32
      %select_n3A_241 = arith.select %eq3A_239, %select_n3A_240, %select_n3A_237 : i32
      %add3A_242 = arith.constant 0 : i32
      %add3A_243 = arith.addi %add3A_242, %mul3A_6 : i32
      %select_n3A_244 = arith.constant true
      %select_n3A_245 = arith.constant 0 : i32
      %select_n3A_246 = arith.constant -1 : i32
      %select_n3A_247 = arith.select %select_n3A_244, %select_n3A_246, %select_n3A_245 : i32
      %eq3A_248 = arith.constant -1 : i32
      %eq3A_249 = arith.cmpi eq, %select_n3A_247, %eq3A_248 : i32
      %select_n3A_250 = arith.constant 0 : i32
      %select_n3A_251 = arith.select %eq3A_249, %select_n3A_250, %select_n3A_247 : i32
      %add3A_252 = arith.constant 0 : i32
      %add3A_253 = arith.addi %add3A_252, %mul3A_6 : i32
      %select_n3A_254 = arith.constant true
      %select_n3A_255 = arith.constant 0 : i32
      %select_n3A_256 = arith.constant 1 : i32
      %select_n3A_257 = arith.select %select_n3A_254, %select_n3A_256, %select_n3A_255 : i32
      %eq3A_258 = arith.constant 1 : i32
      %eq3A_259 = arith.cmpi eq, %select_n3A_257, %eq3A_258 : i32
      %select_n3A_260 = arith.constant 0 : i32
      %select_n3A_261 = arith.select %eq3A_259, %select_n3A_260, %select_n3A_257 : i32
      %add3A_262 = arith.constant 0 : i32
      %add3A_263 = arith.addi %add3A_262, %mul3A_6 : i32
      %select_n3A_264 = arith.constant true
      %select_n3A_265 = arith.constant 0 : i32
      %select_n3A_266 = arith.constant 1 : i32
      %select_n3A_267 = arith.select %select_n3A_264, %select_n3A_266, %select_n3A_265 : i32
      %eq3A_268 = arith.constant 1 : i32
      %eq3A_269 = arith.cmpi eq, %select_n3A_267, %eq3A_268 : i32
      %select_n3A_270 = arith.constant 0 : i32
      %select_n3A_271 = arith.select %eq3A_269, %select_n3A_270, %select_n3A_267 : i32
      %add3A_272 = arith.constant 0 : i32
      %add3A_273 = arith.addi %add3A_272, %mul3A_6 : i32
      "tpu.trace_start"() <{level = 10 : i32, message = "ep_finalize"}> : () -> ()
      %rem3A_274 = arith.constant 2 : i32
      %rem3A_275 = arith.remui %select_n3A_210, %rem3A_274 : i32
      %mul3A_276 = arith.constant 32 : i32
      %mul3A_277 = arith.muli %mul3A_276, %add3A_243 : i32
      %dma_wait3A = arith.constant 0 : i32
      %dma_wait3A_278 = arith.constant 0 : i32
      %dma_wait3A_279 = tpu.memref_slice %run_scoped3A_9[%rem3A_275, %dma_wait3A, %dma_wait3A_278] : memref<2x32x16xf32, #tpu.memory_space<vmem>> -> memref<1x32x16xf32, #tpu.memory_space<vmem>>
      %dma_wait3A_280 = tpu.memref_squeeze %dma_wait3A_279 : memref<1x32x16xf32, #tpu.memory_space<vmem>> -> memref<32x16xf32, #tpu.memory_space<vmem>>
      %dma_wait3A_281 = arith.constant 0 : i32
      %dma_wait3A_282 = tpu.memref_slice %arg4[%mul3A_277, %dma_wait3A_281] : memref<1024x16xf32, #tpu.memory_space<hbm>> -> memref<32x16xf32, #tpu.memory_space<hbm>>
      %dma_wait3A_283 = tpu.memref_slice %run_scoped3A_10[%rem3A_275] : memref<2x!tpu.dma_semaphore, #tpu.memory_space<semaphore_mem>> -> memref<1x!tpu.dma_semaphore, #tpu.memory_space<semaphore_mem>>
      %dma_wait3A_284 = tpu.memref_squeeze %dma_wait3A_283 : memref<1x!tpu.dma_semaphore, #tpu.memory_space<semaphore_mem>> -> memref<!tpu.dma_semaphore, #tpu.memory_space<semaphore_mem>>
      %dma_wait3A_285 = arith.constant 0 : i32
      %dma_wait3A_286 = tpu.memref_slice %arg4[%mul3A_277, %dma_wait3A_285] : memref<1024x16xf32, #tpu.memory_space<hbm>> -> memref<32x16xf32, #tpu.memory_space<hbm>>
      %dma_wait3A_287 = arith.constant 0 : i32
      %dma_wait3A_288 = arith.constant 0 : i32
      %dma_wait3A_289 = tpu.memref_slice %run_scoped3A_9[%rem3A_275, %dma_wait3A_287, %dma_wait3A_288] : memref<2x32x16xf32, #tpu.memory_space<vmem>> -> memref<1x32x16xf32, #tpu.memory_space<vmem>>
      %dma_wait3A_290 = tpu.memref_squeeze %dma_wait3A_289 : memref<1x32x16xf32, #tpu.memory_space<vmem>> -> memref<32x16xf32, #tpu.memory_space<vmem>>
      tpu.wait_dma2 semaphore(%dma_wait3A_284 : memref<!tpu.dma_semaphore, #tpu.memory_space<semaphore_mem>>) src(%dma_wait3A_290 : memref<32x16xf32, #tpu.memory_space<vmem>>) dst(%dma_wait3A_286 : memref<32x16xf32, #tpu.memory_space<hbm>>)
      "tpu.trace_stop"() : () -> ()
      tpu.yield
    }) : () -> ()
    return
  }
}

module attributes {stable_mosaic.version = 14 : i64} {
  func.func @_gating_kernel(%arg0: i32, %arg1: memref<256x2048xf32, #tpu.memory_space<vmem>>, %arg2: memref<256x129xf32, #tpu.memory_space<vmem>>, %arg3: memref<256x129xf32, #tpu.memory_space<vmem>>, %arg4: memref<256x129xf32, #tpu.memory_space<vmem>>, %arg5: memref<256x129xf32, #tpu.memory_space<vmem>>, %arg6: memref<256x129xf32, #tpu.memory_space<vmem>>, %arg7: memref<256x129xf32, #tpu.memory_space<vmem>>, %arg8: memref<129x256xf32, #tpu.memory_space<vmem>>, %arg9: memref<1x256xf32, #tpu.memory_space<vmem>>, %arg10: memref<256x16xf32, #tpu.memory_space<vmem>>, %arg11: memref<1x16xf32, #tpu.memory_space<vmem>>, %arg12: memref<256x16xf32, #tpu.memory_space<vmem>>, %arg13: memref<256x2048xbf16, #tpu.memory_space<vmem>>) attributes {dimension_semantics = [#tpu.dimension_semantics<arbitrary>], iteration_bounds = array<i64: 4>, scalar_prefetch = 0 : i64, scratch_operands = 0 : i64, tpu.core_type = #tpu.core_type<tc>, window_params = [{transform_indices = @transform_0, window_bounds = array<i64: 256, 2048>}, {pipeline_mode = #tpu.pipeline_mode<synchronous>, transform_indices = @transform_1, window_bounds = array<i64: 256, 129>}, {pipeline_mode = #tpu.pipeline_mode<synchronous>, transform_indices = @transform_2, window_bounds = array<i64: 256, 129>}, {pipeline_mode = #tpu.pipeline_mode<synchronous>, transform_indices = @transform_3, window_bounds = array<i64: 256, 129>}, {pipeline_mode = #tpu.pipeline_mode<synchronous>, transform_indices = @transform_4, window_bounds = array<i64: 256, 129>}, {pipeline_mode = #tpu.pipeline_mode<synchronous>, transform_indices = @transform_5, window_bounds = array<i64: 256, 129>}, {pipeline_mode = #tpu.pipeline_mode<synchronous>, transform_indices = @transform_6, window_bounds = array<i64: 256, 129>}, {pipeline_mode = #tpu.pipeline_mode<synchronous>, transform_indices = @transform_7, window_bounds = array<i64: 129, 256>}, {pipeline_mode = #tpu.pipeline_mode<synchronous>, transform_indices = @transform_8, window_bounds = array<i64: 1, 256>}, {pipeline_mode = #tpu.pipeline_mode<synchronous>, transform_indices = @transform_9, window_bounds = array<i64: 256, 16>}, {pipeline_mode = #tpu.pipeline_mode<synchronous>, transform_indices = @transform_10, window_bounds = array<i64: 1, 16>}, {transform_indices = @transform_11, window_bounds = array<i64: 256, 16>}, {transform_indices = @transform_12, window_bounds = array<i64: 256, 2048>}]} {
    %get3A = arith.constant 0 : index
    %get3A_0 = arith.constant 0 : index
    %get3A_1 = vector.load %arg1[%get3A, %get3A_0] : memref<256x2048xf32, #tpu.memory_space<vmem>>, vector<256x2048xf32>
    %convert_element_type3A = arith.truncf %get3A_1 : vector<256x2048xf32> to vector<256x2048xbf16>
    %swap3A = arith.constant 0 : index
    %swap3A_2 = arith.constant 0 : index
    %swap3A_3 = vector.load %arg13[%swap3A, %swap3A_2] : memref<256x2048xbf16, #tpu.memory_space<vmem>>, vector<256x2048xbf16>
    tpu.vector_store %arg13[%swap3A, %swap3A_2], %convert_element_type3A {strides = array<i32>} : memref<256x2048xbf16, #tpu.memory_space<vmem>>, vector<256x2048xbf16>,
    %get3A_4 = arith.constant 0 : index
    %get3A_5 = arith.constant 0 : index
    %get3A_6 = vector.load %arg1[%get3A_4, %get3A_5] : memref<256x2048xf32, #tpu.memory_space<vmem>>, vector<256x256xf32>
    %get3A_7 = arith.constant 0 : index
    %get3A_8 = arith.constant 128 : index
    %get3A_9 = vector.load %arg1[%get3A_7, %get3A_8] : memref<256x2048xf32, #tpu.memory_space<vmem>>, vector<256x256xf32>
    %get3A_10 = arith.constant 0 : index
    %get3A_11 = arith.constant 256 : index
    %get3A_12 = vector.load %arg1[%get3A_10, %get3A_11] : memref<256x2048xf32, #tpu.memory_space<vmem>>, vector<256x256xf32>
    %get3A_13 = arith.constant 0 : index
    %get3A_14 = arith.constant 384 : index
    %get3A_15 = vector.load %arg1[%get3A_13, %get3A_14] : memref<256x2048xf32, #tpu.memory_space<vmem>>, vector<256x256xf32>
    %get3A_16 = arith.constant 0 : index
    %get3A_17 = arith.constant 512 : index
    %get3A_18 = vector.load %arg1[%get3A_16, %get3A_17] : memref<256x2048xf32, #tpu.memory_space<vmem>>, vector<256x256xf32>
    %get3A_19 = arith.constant 0 : index
    %get3A_20 = arith.constant 640 : index
    %get3A_21 = vector.load %arg1[%get3A_19, %get3A_20] : memref<256x2048xf32, #tpu.memory_space<vmem>>, vector<256x256xf32>
    %get3A_22 = arith.constant 0 : index
    %get3A_23 = arith.constant 768 : index
    %get3A_24 = vector.load %arg1[%get3A_22, %get3A_23] : memref<256x2048xf32, #tpu.memory_space<vmem>>, vector<256x256xf32>
    %get3A_25 = arith.constant 0 : index
    %get3A_26 = arith.constant 896 : index
    %get3A_27 = vector.load %arg1[%get3A_25, %get3A_26] : memref<256x2048xf32, #tpu.memory_space<vmem>>, vector<256x256xf32>
    %get3A_28 = arith.constant 0 : index
    %get3A_29 = arith.constant 1024 : index
    %get3A_30 = vector.load %arg1[%get3A_28, %get3A_29] : memref<256x2048xf32, #tpu.memory_space<vmem>>, vector<256x256xf32>
    %get3A_31 = arith.constant 0 : index
    %get3A_32 = arith.constant 1152 : index
    %get3A_33 = vector.load %arg1[%get3A_31, %get3A_32] : memref<256x2048xf32, #tpu.memory_space<vmem>>, vector<256x256xf32>
    %get3A_34 = arith.constant 0 : index
    %get3A_35 = arith.constant 1280 : index
    %get3A_36 = vector.load %arg1[%get3A_34, %get3A_35] : memref<256x2048xf32, #tpu.memory_space<vmem>>, vector<256x256xf32>
    %get3A_37 = arith.constant 0 : index
    %get3A_38 = arith.constant 1408 : index
    %get3A_39 = vector.load %arg1[%get3A_37, %get3A_38] : memref<256x2048xf32, #tpu.memory_space<vmem>>, vector<256x256xf32>
    %get3A_40 = arith.constant 0 : index
    %get3A_41 = arith.constant 1536 : index
    %get3A_42 = vector.load %arg1[%get3A_40, %get3A_41] : memref<256x2048xf32, #tpu.memory_space<vmem>>, vector<256x256xf32>
    %get3A_43 = arith.constant 0 : index
    %get3A_44 = arith.constant 1664 : index
    %get3A_45 = vector.load %arg1[%get3A_43, %get3A_44] : memref<256x2048xf32, #tpu.memory_space<vmem>>, vector<256x256xf32>
    %get3A_46 = arith.constant 0 : index
    %get3A_47 = arith.constant 1792 : index
    %get3A_48 = vector.load %arg1[%get3A_46, %get3A_47] : memref<256x2048xf32, #tpu.memory_space<vmem>>, vector<256x256xf32>
    %concatenate3A = tpu.concatenate %get3A_6, %get3A_9, %get3A_12, %get3A_15, %get3A_18, %get3A_21, %get3A_24, %get3A_27, %get3A_30, %get3A_33, %get3A_36, %get3A_39, %get3A_42, %get3A_45, %get3A_48 in 0 : vector<256x256xf32>, vector<256x256xf32>, vector<256x256xf32>, vector<256x256xf32>, vector<256x256xf32>, vector<256x256xf32>, vector<256x256xf32>, vector<256x256xf32>, vector<256x256xf32>, vector<256x256xf32>, vector<256x256xf32>, vector<256x256xf32>, vector<256x256xf32>, vector<256x256xf32>, vector<256x256xf32> -> vector<3840x256xf32>
    %get3A_49 = arith.constant 0 : index
    %get3A_50 = arith.constant 0 : index
    %get3A_51 = vector.load %arg2[%get3A_49, %get3A_50] : memref<256x129xf32, #tpu.memory_space<vmem>>, vector<256x129xf32>
    %dot_general3A = arith.constant dense<0.000000e+00> : vector<3840x129xf32>
    %dot_general3A_52 = tpu.matmul %concatenate3A, %get3A_51, %dot_general3A {dimension_numbers = #tpu.dot_dimension_numbers<[1], [0], [0], [1], [0, 0, 1, 1], [], []>, transpose_lhs_hint = false} : vector<3840x256xf32>, vector<256x129xf32>, vector<3840x129xf32> -> vector<3840x129xf32>
    %get3A_53 = arith.constant 0 : index
    %get3A_54 = arith.constant 0 : index
    %get3A_55 = vector.load %arg3[%get3A_53, %get3A_54] : memref<256x129xf32, #tpu.memory_space<vmem>>, vector<256x129xf32>
    %dot_general3A_56 = arith.constant dense<0.000000e+00> : vector<3840x129xf32>
    %dot_general3A_57 = tpu.matmul %concatenate3A, %get3A_55, %dot_general3A_56 {dimension_numbers = #tpu.dot_dimension_numbers<[1], [0], [0], [1], [0, 0, 1, 1], [], []>, transpose_lhs_hint = false} : vector<3840x256xf32>, vector<256x129xf32>, vector<3840x129xf32> -> vector<3840x129xf32>
    %mul3A = arith.mulf %dot_general3A_52, %dot_general3A_52 : vector<3840x129xf32>
    %mul3A_58 = arith.mulf %dot_general3A_57, %dot_general3A_57 : vector<3840x129xf32>
    %add3A = arith.addf %mul3A, %mul3A_58 : vector<3840x129xf32>
    %add3A_59 = arith.constant 1.000000e-30 : f32
    %add3A_60 = vector.broadcast %add3A_59 : f32 to vector<3840x129xf32>
    %add3A_61 = arith.addf %add3A, %add3A_60 : vector<3840x129xf32>
    %rsqrt3A = math.rsqrt %add3A_61 : vector<3840x129xf32>
    %mul3A_62 = arith.constant 5.000000e-01 : f32
    %mul3A_63 = vector.broadcast %mul3A_62 : f32 to vector<3840x129xf32>
    %mul3A_64 = arith.mulf %mul3A_63, %add3A_61 : vector<3840x129xf32>
    %mul3A_65 = arith.mulf %mul3A_64, %rsqrt3A : vector<3840x129xf32>
    %mul3A_66 = arith.mulf %mul3A_65, %rsqrt3A : vector<3840x129xf32>
    %sub3A = arith.constant 1.500000e+00 : f32
    %sub3A_67 = vector.broadcast %sub3A : f32 to vector<3840x129xf32>
    %sub3A_68 = arith.subf %sub3A_67, %mul3A_66 : vector<3840x129xf32>
    %mul3A_69 = arith.mulf %rsqrt3A, %sub3A_68 : vector<3840x129xf32>
    %mul3A_70 = arith.mulf %add3A, %mul3A_69 : vector<3840x129xf32>
    %get3A_71 = arith.constant 0 : index
    %get3A_72 = arith.constant 0 : index
    %get3A_73 = vector.load %arg1[%get3A_71, %get3A_72] : memref<256x2048xf32, #tpu.memory_space<vmem>>, vector<256x256xf32>
    %get3A_74 = arith.constant 0 : index
    %get3A_75 = arith.constant 0 : index
    %get3A_76 = vector.load %arg4[%get3A_74, %get3A_75] : memref<256x129xf32, #tpu.memory_space<vmem>>, vector<256x129xf32>
    %dot_general3A_77 = arith.constant dense<0.000000e+00> : vector<256x129xf32>
    %dot_general3A_78 = tpu.matmul %get3A_73, %get3A_76, %dot_general3A_77 {dimension_numbers = #tpu.dot_dimension_numbers<[1], [0], [0], [1], [0, 0, 1, 1], [], []>, transpose_lhs_hint = false} : vector<256x256xf32>, vector<256x129xf32>, vector<256x129xf32> -> vector<256x129xf32>
    %get3A_79 = arith.constant 0 : index
    %get3A_80 = arith.constant 0 : index
    %get3A_81 = vector.load %arg5[%get3A_79, %get3A_80] : memref<256x129xf32, #tpu.memory_space<vmem>>, vector<256x129xf32>
    %dot_general3A_82 = arith.constant dense<0.000000e+00> : vector<256x129xf32>
    %dot_general3A_83 = tpu.matmul %get3A_73, %get3A_81, %dot_general3A_82 {dimension_numbers = #tpu.dot_dimension_numbers<[1], [0], [0], [1], [0, 0, 1, 1], [], []>, transpose_lhs_hint = false} : vector<256x256xf32>, vector<256x129xf32>, vector<256x129xf32> -> vector<256x129xf32>
    %mul3A_84 = arith.mulf %dot_general3A_78, %dot_general3A_78 : vector<256x129xf32>
    %mul3A_85 = arith.mulf %dot_general3A_83, %dot_general3A_83 : vector<256x129xf32>
    %add3A_86 = arith.addf %mul3A_84, %mul3A_85 : vector<256x129xf32>
    %add3A_87 = arith.constant 1.000000e-30 : f32
    %add3A_88 = vector.broadcast %add3A_87 : f32 to vector<256x129xf32>
    %add3A_89 = arith.addf %add3A_86, %add3A_88 : vector<256x129xf32>
    %rsqrt3A_90 = math.rsqrt %add3A_89 : vector<256x129xf32>
    %mul3A_91 = arith.constant 5.000000e-01 : f32
    %mul3A_92 = vector.broadcast %mul3A_91 : f32 to vector<256x129xf32>
    %mul3A_93 = arith.mulf %mul3A_92, %add3A_89 : vector<256x129xf32>
    %mul3A_94 = arith.mulf %mul3A_93, %rsqrt3A_90 : vector<256x129xf32>
    %mul3A_95 = arith.mulf %mul3A_94, %rsqrt3A_90 : vector<256x129xf32>
    %sub3A_96 = arith.constant 1.500000e+00 : f32
    %sub3A_97 = vector.broadcast %sub3A_96 : f32 to vector<256x129xf32>
    %sub3A_98 = arith.subf %sub3A_97, %mul3A_95 : vector<256x129xf32>
    %mul3A_99 = arith.mulf %rsqrt3A_90, %sub3A_98 : vector<256x129xf32>
    %mul3A_100 = arith.mulf %add3A_86, %mul3A_99 : vector<256x129xf32>
    %slice3A = vector.extract_strided_slice %mul3A_70 {offsets = [0, 0], sizes = [256, 129], strides = [1, 1]} : vector<3840x129xf32> to vector<256x129xf32>
    %add3A_101 = arith.addf %mul3A_100, %slice3A : vector<256x129xf32>
    %slice3A_102 = vector.extract_strided_slice %mul3A_70 {offsets = [256, 0], sizes = [256, 129], strides = [1, 1]} : vector<3840x129xf32> to vector<256x129xf32>
    %add3A_103 = arith.addf %add3A_101, %slice3A_102 : vector<256x129xf32>
    %slice3A_104 = vector.extract_strided_slice %mul3A_70 {offsets = [512, 0], sizes = [256, 129], strides = [1, 1]} : vector<3840x129xf32> to vector<256x129xf32>
    %add3A_105 = arith.addf %add3A_103, %slice3A_104 : vector<256x129xf32>
    %slice3A_106 = vector.extract_strided_slice %mul3A_70 {offsets = [768, 0], sizes = [256, 129], strides = [1, 1]} : vector<3840x129xf32> to vector<256x129xf32>
    %add3A_107 = arith.addf %add3A_105, %slice3A_106 : vector<256x129xf32>
    %slice3A_108 = vector.extract_strided_slice %mul3A_70 {offsets = [1024, 0], sizes = [256, 129], strides = [1, 1]} : vector<3840x129xf32> to vector<256x129xf32>
    %add3A_109 = arith.addf %add3A_107, %slice3A_108 : vector<256x129xf32>
    %slice3A_110 = vector.extract_strided_slice %mul3A_70 {offsets = [1280, 0], sizes = [256, 129], strides = [1, 1]} : vector<3840x129xf32> to vector<256x129xf32>
    %add3A_111 = arith.addf %add3A_109, %slice3A_110 : vector<256x129xf32>
    %slice3A_112 = vector.extract_strided_slice %mul3A_70 {offsets = [1536, 0], sizes = [256, 129], strides = [1, 1]} : vector<3840x129xf32> to vector<256x129xf32>
    %add3A_113 = arith.addf %add3A_111, %slice3A_112 : vector<256x129xf32>
    %slice3A_114 = vector.extract_strided_slice %mul3A_70 {offsets = [1792, 0], sizes = [256, 129], strides = [1, 1]} : vector<3840x129xf32> to vector<256x129xf32>
    %add3A_115 = arith.addf %add3A_113, %slice3A_114 : vector<256x129xf32>
    %slice3A_116 = vector.extract_strided_slice %mul3A_70 {offsets = [2048, 0], sizes = [256, 129], strides = [1, 1]} : vector<3840x129xf32> to vector<256x129xf32>
    %add3A_117 = arith.addf %add3A_115, %slice3A_116 : vector<256x129xf32>
    %slice3A_118 = vector.extract_strided_slice %mul3A_70 {offsets = [2304, 0], sizes = [256, 129], strides = [1, 1]} : vector<3840x129xf32> to vector<256x129xf32>
    %add3A_119 = arith.addf %add3A_117, %slice3A_118 : vector<256x129xf32>
    %slice3A_120 = vector.extract_strided_slice %mul3A_70 {offsets = [2560, 0], sizes = [256, 129], strides = [1, 1]} : vector<3840x129xf32> to vector<256x129xf32>
    %add3A_121 = arith.addf %add3A_119, %slice3A_120 : vector<256x129xf32>
    %slice3A_122 = vector.extract_strided_slice %mul3A_70 {offsets = [2816, 0], sizes = [256, 129], strides = [1, 1]} : vector<3840x129xf32> to vector<256x129xf32>
    %add3A_123 = arith.addf %add3A_121, %slice3A_122 : vector<256x129xf32>
    %slice3A_124 = vector.extract_strided_slice %mul3A_70 {offsets = [3072, 0], sizes = [256, 129], strides = [1, 1]} : vector<3840x129xf32> to vector<256x129xf32>
    %add3A_125 = arith.addf %add3A_123, %slice3A_124 : vector<256x129xf32>
    %slice3A_126 = vector.extract_strided_slice %mul3A_70 {offsets = [3328, 0], sizes = [256, 129], strides = [1, 1]} : vector<3840x129xf32> to vector<256x129xf32>
    %add3A_127 = arith.addf %add3A_125, %slice3A_126 : vector<256x129xf32>
    %slice3A_128 = vector.extract_strided_slice %mul3A_70 {offsets = [3584, 0], sizes = [256, 129], strides = [1, 1]} : vector<3840x129xf32> to vector<256x129xf32>
    %add3A_129 = arith.addf %add3A_127, %slice3A_128 : vector<256x129xf32>
    %get3A_130 = arith.constant 0 : index
    %get3A_131 = arith.constant 1792 : index
    %get3A_132 = vector.load %arg1[%get3A_130, %get3A_131] : memref<256x2048xf32, #tpu.memory_space<vmem>>, vector<256x256xf32>
    %get3A_133 = arith.constant 0 : index
    %get3A_134 = arith.constant 0 : index
    %get3A_135 = vector.load %arg6[%get3A_133, %get3A_134] : memref<256x129xf32, #tpu.memory_space<vmem>>, vector<256x129xf32>
    %dot_general3A_136 = arith.constant dense<0.000000e+00> : vector<256x129xf32>
    %dot_general3A_137 = tpu.matmul %get3A_132, %get3A_135, %dot_general3A_136 {dimension_numbers = #tpu.dot_dimension_numbers<[1], [0], [0], [1], [0, 0, 1, 1], [], []>, transpose_lhs_hint = false} : vector<256x256xf32>, vector<256x129xf32>, vector<256x129xf32> -> vector<256x129xf32>
    %get3A_138 = arith.constant 0 : index
    %get3A_139 = arith.constant 0 : index
    %get3A_140 = vector.load %arg7[%get3A_138, %get3A_139] : memref<256x129xf32, #tpu.memory_space<vmem>>, vector<256x129xf32>
    %dot_general3A_141 = arith.constant dense<0.000000e+00> : vector<256x129xf32>
    %dot_general3A_142 = tpu.matmul %get3A_132, %get3A_140, %dot_general3A_141 {dimension_numbers = #tpu.dot_dimension_numbers<[1], [0], [0], [1], [0, 0, 1, 1], [], []>, transpose_lhs_hint = false} : vector<256x256xf32>, vector<256x129xf32>, vector<256x129xf32> -> vector<256x129xf32>
    %mul3A_143 = arith.mulf %dot_general3A_137, %dot_general3A_137 : vector<256x129xf32>
    %mul3A_144 = arith.mulf %dot_general3A_142, %dot_general3A_142 : vector<256x129xf32>
    %add3A_145 = arith.addf %mul3A_143, %mul3A_144 : vector<256x129xf32>
    %add3A_146 = arith.constant 1.000000e-30 : f32
    %add3A_147 = vector.broadcast %add3A_146 : f32 to vector<256x129xf32>
    %add3A_148 = arith.addf %add3A_145, %add3A_147 : vector<256x129xf32>
    %rsqrt3A_149 = math.rsqrt %add3A_148 : vector<256x129xf32>
    %mul3A_150 = arith.constant 5.000000e-01 : f32
    %mul3A_151 = vector.broadcast %mul3A_150 : f32 to vector<256x129xf32>
    %mul3A_152 = arith.mulf %mul3A_151, %add3A_148 : vector<256x129xf32>
    %mul3A_153 = arith.mulf %mul3A_152, %rsqrt3A_149 : vector<256x129xf32>
    %mul3A_154 = arith.mulf %mul3A_153, %rsqrt3A_149 : vector<256x129xf32>
    %sub3A_155 = arith.constant 1.500000e+00 : f32
    %sub3A_156 = vector.broadcast %sub3A_155 : f32 to vector<256x129xf32>
    %sub3A_157 = arith.subf %sub3A_156, %mul3A_154 : vector<256x129xf32>
    %mul3A_158 = arith.mulf %rsqrt3A_149, %sub3A_157 : vector<256x129xf32>
    %mul3A_159 = arith.mulf %add3A_145, %mul3A_158 : vector<256x129xf32>
    %add3A_160 = arith.addf %add3A_129, %mul3A_159 : vector<256x129xf32>
    %mul3A_161 = arith.constant 0.0588235296 : f32
    %mul3A_162 = vector.broadcast %mul3A_161 : f32 to vector<256x129xf32>
    %mul3A_163 = arith.mulf %add3A_160, %mul3A_162 : vector<256x129xf32>
    %get3A_164 = arith.constant 0 : index
    %get3A_165 = arith.constant 0 : index
    %get3A_166 = vector.load %arg8[%get3A_164, %get3A_165] : memref<129x256xf32, #tpu.memory_space<vmem>>, vector<129x256xf32>
    %dot_general3A_167 = arith.constant dense<0.000000e+00> : vector<256x256xf32>
    %dot_general3A_168 = tpu.matmul %mul3A_163, %get3A_166, %dot_general3A_167 {dimension_numbers = #tpu.dot_dimension_numbers<[1], [0], [0], [1], [0, 0, 1, 1], [], []>, transpose_lhs_hint = false} : vector<256x129xf32>, vector<129x256xf32>, vector<256x256xf32> -> vector<256x256xf32>
    %get3A_169 = arith.constant 0 : index
    %get3A_170 = arith.constant 0 : index
    %get3A_171 = vector.load %arg9[%get3A_169, %get3A_170] : memref<1x256xf32, #tpu.memory_space<vmem>>, vector<1x256xf32>
    %add3A_172 = vector.broadcast %get3A_171 : vector<1x256xf32> to vector<256x256xf32>
    %add3A_173 = arith.addf %dot_general3A_168, %add3A_172 : vector<256x256xf32>
    %max3A = arith.constant 0.000000e+00 : f32
    %max3A_174 = vector.broadcast %max3A : f32 to vector<256x256xf32>
    %max3A_175 = arith.maximumf %add3A_173, %max3A_174 : vector<256x256xf32>
    %get3A_176 = arith.constant 0 : index
    %get3A_177 = arith.constant 0 : index
    %get3A_178 = vector.load %arg10[%get3A_176, %get3A_177] : memref<256x16xf32, #tpu.memory_space<vmem>>, vector<256x16xf32>
    %dot_general3A_179 = arith.constant dense<0.000000e+00> : vector<256x16xf32>
    %dot_general3A_180 = tpu.matmul %max3A_175, %get3A_178, %dot_general3A_179 {dimension_numbers = #tpu.dot_dimension_numbers<[1], [0], [0], [1], [0, 0, 1, 1], [], []>, transpose_lhs_hint = false} : vector<256x256xf32>, vector<256x16xf32>, vector<256x16xf32> -> vector<256x16xf32>
    %get3A_181 = arith.constant 0 : index
    %get3A_182 = arith.constant 0 : index
    %get3A_183 = vector.load %arg11[%get3A_181, %get3A_182] : memref<1x16xf32, #tpu.memory_space<vmem>>, vector<1x16xf32>
    %add3A_184 = vector.broadcast %get3A_183 : vector<1x16xf32> to vector<256x16xf32>
    %add3A_185 = arith.addf %dot_general3A_180, %add3A_184 : vector<256x16xf32>
    %swap3A_186 = arith.constant 0 : index
    %swap3A_187 = arith.constant 0 : index
    %swap3A_188 = vector.load %arg12[%swap3A_186, %swap3A_187] : memref<256x16xf32, #tpu.memory_space<vmem>>, vector<256x16xf32>
    tpu.vector_store %arg12[%swap3A_186, %swap3A_187], %add3A_185 {strides = array<i32>} : memref<256x16xf32, #tpu.memory_space<vmem>>, vector<256x16xf32>,
    return
  }
  func.func @transform_0(%arg0: i32) -> (i32, i32) {
    %c0_i32 = arith.constant 0 : i32
    %c0_i32_0 = arith.constant 0 : i32
    return %arg0, %c0_i32 : i32, i32
  }
  func.func @transform_1(%arg0: i32) -> (i32, i32) {
    %c0_i32 = arith.constant 0 : i32
    %c0_i32_0 = arith.constant 0 : i32
    %c0_i32_1 = arith.constant 0 : i32
    return %c0_i32, %c0_i32_0 : i32, i32
  }
  func.func @transform_2(%arg0: i32) -> (i32, i32) {
    %c0_i32 = arith.constant 0 : i32
    %c0_i32_0 = arith.constant 0 : i32
    %c0_i32_1 = arith.constant 0 : i32
    return %c0_i32, %c0_i32_0 : i32, i32
  }
  func.func @transform_3(%arg0: i32) -> (i32, i32) {
    %c0_i32 = arith.constant 0 : i32
    %c0_i32_0 = arith.constant 0 : i32
    %c0_i32_1 = arith.constant 0 : i32
    return %c0_i32, %c0_i32_0 : i32, i32
  }
  func.func @transform_4(%arg0: i32) -> (i32, i32) {
    %c0_i32 = arith.constant 0 : i32
    %c0_i32_0 = arith.constant 0 : i32
    %c0_i32_1 = arith.constant 0 : i32
    return %c0_i32, %c0_i32_0 : i32, i32
  }
  func.func @transform_5(%arg0: i32) -> (i32, i32) {
    %c0_i32 = arith.constant 0 : i32
    %c0_i32_0 = arith.constant 0 : i32
    %c0_i32_1 = arith.constant 0 : i32
    return %c0_i32, %c0_i32_0 : i32, i32
  }
  func.func @transform_6(%arg0: i32) -> (i32, i32) {
    %c0_i32 = arith.constant 0 : i32
    %c0_i32_0 = arith.constant 0 : i32
    %c0_i32_1 = arith.constant 0 : i32
    return %c0_i32, %c0_i32_0 : i32, i32
  }
  func.func @transform_7(%arg0: i32) -> (i32, i32) {
    %c0_i32 = arith.constant 0 : i32
    %c0_i32_0 = arith.constant 0 : i32
    %c0_i32_1 = arith.constant 0 : i32
    return %c0_i32, %c0_i32_0 : i32, i32
  }
  func.func @transform_8(%arg0: i32) -> (i32, i32) {
    %c0_i32 = arith.constant 0 : i32
    %c0_i32_0 = arith.constant 0 : i32
    %c0_i32_1 = arith.constant 0 : i32
    return %c0_i32, %c0_i32_0 : i32, i32
  }
  func.func @transform_9(%arg0: i32) -> (i32, i32) {
    %c0_i32 = arith.constant 0 : i32
    %c0_i32_0 = arith.constant 0 : i32
    %c0_i32_1 = arith.constant 0 : i32
    return %c0_i32, %c0_i32_0 : i32, i32
  }
  func.func @transform_10(%arg0: i32) -> (i32, i32) {
    %c0_i32 = arith.constant 0 : i32
    %c0_i32_0 = arith.constant 0 : i32
    %c0_i32_1 = arith.constant 0 : i32
    return %c0_i32, %c0_i32_0 : i32, i32
  }
  func.func @transform_11(%arg0: i32) -> (i32, i32) {
    %c0_i32 = arith.constant 0 : i32
    %c0_i32_0 = arith.constant 0 : i32
    return %arg0, %c0_i32 : i32, i32
  }
  func.func @transform_12(%arg0: i32) -> (i32, i32) {
    %c0_i32 = arith.constant 0 : i32
    %c0_i32_0 = arith.constant 0 : i32
    return %arg0, %c0_i32 : i32, i32
  }
}

module attributes {stable_mosaic.version = 14 : i64} {
  func.func @_expert_kernel(%arg0: i32, %arg1: memref<1024x2048xbf16, #tpu.memory_space<vmem>>, %arg2: memref<2048x256xbf16, #tpu.memory_space<vmem>>, %arg3: memref<1x256xf32, #tpu.memory_space<vmem>>, %arg4: memref<1x16x256xf32, #tpu.memory_space<vmem>>, %arg5: memref<256x64xbf16, #tpu.memory_space<vmem>>, %arg6: memref<16x64xf32, #tpu.memory_space<vmem>>, %arg7: memref<1024x16xf32, #tpu.memory_space<vmem>>, %arg8: memref<1024x64xf32, #tpu.memory_space<vmem>>) attributes {dimension_semantics = [#tpu.dimension_semantics<arbitrary>], iteration_bounds = array<i64: 4>, scalar_prefetch = 0 : i64, scratch_operands = 0 : i64, tpu.core_type = #tpu.core_type<tc>, window_params = [{pipeline_mode = #tpu.pipeline_mode<synchronous>, transform_indices = @transform_0, window_bounds = array<i64: 1024, 2048>}, {transform_indices = @transform_1, window_bounds = array<i64: 2048, 256>}, {transform_indices = @transform_2, window_bounds = array<i64: 1, 256>}, {transform_indices = @transform_3, window_bounds = array<i64: 1, 16, 256>}, {transform_indices = @transform_4, window_bounds = array<i64: 256, 64>}, {pipeline_mode = #tpu.pipeline_mode<synchronous>, transform_indices = @transform_5, window_bounds = array<i64: 16, 64>}, {pipeline_mode = #tpu.pipeline_mode<synchronous>, transform_indices = @transform_6, window_bounds = array<i64: 1024, 16>}, {pipeline_mode = #tpu.pipeline_mode<synchronous>, transform_indices = @transform_7, window_bounds = array<i64: 1024, 64>}]} {
    %get3A = arith.constant 0 : index
    %get3A_0 = arith.constant 0 : index
    %get3A_1 = vector.load %arg1[%get3A, %get3A_0] : memref<1024x2048xbf16, #tpu.memory_space<vmem>>, vector<1024x2048xbf16>
    %get3A_2 = arith.constant 0 : index
    %get3A_3 = arith.constant 0 : index
    %get3A_4 = vector.load %arg2[%get3A_2, %get3A_3] : memref<2048x256xbf16, #tpu.memory_space<vmem>>, vector<2048x256xbf16>
    %dot_general3A = arith.constant dense<0.000000e+00> : vector<1024x256xf32>
    %dot_general3A_5 = tpu.matmul %get3A_1, %get3A_4, %dot_general3A {dimension_numbers = #tpu.dot_dimension_numbers<[1], [0], [0], [1], [0, 0, 1, 1], [], []>, transpose_lhs_hint = false} : vector<1024x2048xbf16>, vector<2048x256xbf16>, vector<1024x256xf32> -> vector<1024x256xf32>
    %get3A_6 = arith.constant 0 : index
    %get3A_7 = arith.constant 0 : index
    %get3A_8 = vector.load %arg3[%get3A_6, %get3A_7] : memref<1x256xf32, #tpu.memory_space<vmem>>, vector<1x256xf32>
    %add3A = vector.broadcast %get3A_8 : vector<1x256xf32> to vector<1024x256xf32>
    %add3A_9 = arith.addf %dot_general3A_5, %add3A : vector<1024x256xf32>
    %max3A = arith.constant 0.000000e+00 : f32
    %max3A_10 = vector.broadcast %max3A : f32 to vector<1024x256xf32>
    %max3A_11 = arith.maximumf %add3A_9, %max3A_10 : vector<1024x256xf32>
    %get3A_12 = arith.constant 0 : index
    %get3A_13 = arith.constant 0 : index
    %get3A_14 = vector.load %arg7[%get3A_12, %get3A_13] : memref<1024x16xf32, #tpu.memory_space<vmem>>, vector<1024x16xf32>
    %get3A_15 = arith.constant 0 : index
    %get3A_16 = arith.constant 0 : index
    %get3A_17 = arith.constant 0 : index
    %get3A_18 = vector.load %arg4[%get3A_15, %get3A_16, %get3A_17] : memref<1x16x256xf32, #tpu.memory_space<vmem>>, vector<1x16x256xf32>
    %get3A_19 = vector.shape_cast %get3A_18 : vector<1x16x256xf32> to vector<16x256xf32>
    %dot_general3A_20 = arith.constant dense<0.000000e+00> : vector<1024x256xf32>
    %dot_general3A_21 = tpu.matmul %get3A_14, %get3A_19, %dot_general3A_20 {dimension_numbers = #tpu.dot_dimension_numbers<[1], [0], [0], [1], [0, 0, 1, 1], [], []>, transpose_lhs_hint = false} : vector<1024x16xf32>, vector<16x256xf32>, vector<1024x256xf32> -> vector<1024x256xf32>
    %mul3A = arith.mulf %max3A_11, %dot_general3A_21 : vector<1024x256xf32>
    %convert_element_type3A = arith.truncf %mul3A : vector<1024x256xf32> to vector<1024x256xbf16>
    %get3A_22 = arith.constant 0 : index
    %get3A_23 = arith.constant 0 : index
    %get3A_24 = vector.load %arg5[%get3A_22, %get3A_23] : memref<256x64xbf16, #tpu.memory_space<vmem>>, vector<256x64xbf16>
    %dot_general3A_25 = arith.constant dense<0.000000e+00> : vector<1024x64xf32>
    %dot_general3A_26 = tpu.matmul %convert_element_type3A, %get3A_24, %dot_general3A_25 {dimension_numbers = #tpu.dot_dimension_numbers<[1], [0], [0], [1], [0, 0, 1, 1], [], []>, transpose_lhs_hint = false} : vector<1024x256xbf16>, vector<256x64xbf16>, vector<1024x64xf32> -> vector<1024x64xf32>
    %eq3A = arith.constant 0 : i32
    %eq3A_27 = arith.cmpi eq, %arg0, %eq3A : i32
    %convert_element_type3A_28 = arith.extui %eq3A_27 : i1 to i32
    %cond3A = arith.constant 0 : i32
    %cond3A_29 = arith.cmpi ne, %convert_element_type3A_28, %cond3A : i32
    scf.if %cond3A_29 {
      %get3A_36 = arith.constant 0 : index
      %get3A_37 = arith.constant 0 : index
      %get3A_38 = vector.load %arg7[%get3A_36, %get3A_37] : memref<1024x16xf32, #tpu.memory_space<vmem>>, vector<1024x16xf32>
      %get3A_39 = arith.constant 0 : index
      %get3A_40 = arith.constant 0 : index
      %get3A_41 = vector.load %arg6[%get3A_39, %get3A_40] : memref<16x64xf32, #tpu.memory_space<vmem>>, vector<16x64xf32>
      %dot_general3A_42 = arith.constant dense<0.000000e+00> : vector<1024x64xf32>
      %dot_general3A_43 = tpu.matmul %get3A_38, %get3A_41, %dot_general3A_42 {dimension_numbers = #tpu.dot_dimension_numbers<[1], [0], [0], [1], [0, 0, 1, 1], [], []>, transpose_lhs_hint = false} : vector<1024x16xf32>, vector<16x64xf32>, vector<1024x64xf32> -> vector<1024x64xf32>
      %swap3A_44 = arith.constant 0 : index
      %swap3A_45 = arith.constant 0 : index
      %swap3A_46 = vector.load %arg8[%swap3A_44, %swap3A_45] : memref<1024x64xf32, #tpu.memory_space<vmem>>, vector<1024x64xf32>
      tpu.vector_store %arg8[%swap3A_44, %swap3A_45], %dot_general3A_43 {strides = array<i32>} : memref<1024x64xf32, #tpu.memory_space<vmem>>, vector<1024x64xf32>,
    } else {
    }
    %get3A_30 = arith.constant 0 : index
    %get3A_31 = arith.constant 0 : index
    %get3A_32 = vector.load %arg8[%get3A_30, %get3A_31] : memref<1024x64xf32, #tpu.memory_space<vmem>>, vector<1024x64xf32>
    %add3A_33 = arith.addf %get3A_32, %dot_general3A_26 : vector<1024x64xf32>
    %swap3A = arith.constant 0 : index
    %swap3A_34 = arith.constant 0 : index
    %swap3A_35 = vector.load %arg8[%swap3A, %swap3A_34] : memref<1024x64xf32, #tpu.memory_space<vmem>>, vector<1024x64xf32>
    tpu.vector_store %arg8[%swap3A, %swap3A_34], %add3A_33 {strides = array<i32>} : memref<1024x64xf32, #tpu.memory_space<vmem>>, vector<1024x64xf32>,
    return
  }
  func.func @transform_0(%arg0: i32) -> (i32, i32) {
    %c0_i32 = arith.constant 0 : i32
    %c0_i32_0 = arith.constant 0 : i32
    %c0_i32_1 = arith.constant 0 : i32
    return %c0_i32, %c0_i32_0 : i32, i32
  }
  func.func @transform_1(%arg0: i32) -> (i32, i32) {
    %c0_i32 = arith.constant 0 : i32
    %c0_i32_0 = arith.constant 0 : i32
    return %c0_i32, %arg0 : i32, i32
  }
  func.func @transform_2(%arg0: i32) -> (i32, i32) {
    %c0_i32 = arith.constant 0 : i32
    %c0_i32_0 = arith.constant 0 : i32
    return %c0_i32, %arg0 : i32, i32
  }
  func.func @transform_3(%arg0: i32) -> (i32, i32, i32) {
    %c0_i32 = arith.constant 0 : i32
    %c0_i32_0 = arith.constant 0 : i32
    %c0_i32_1 = arith.constant 0 : i32
    return %arg0, %c0_i32, %c0_i32_0 : i32, i32, i32
  }
  func.func @transform_4(%arg0: i32) -> (i32, i32) {
    %c0_i32 = arith.constant 0 : i32
    %c0_i32_0 = arith.constant 0 : i32
    return %arg0, %c0_i32 : i32, i32
  }
  func.func @transform_5(%arg0: i32) -> (i32, i32) {
    %c0_i32 = arith.constant 0 : i32
    %c0_i32_0 = arith.constant 0 : i32
    %c0_i32_1 = arith.constant 0 : i32
    return %c0_i32, %c0_i32_0 : i32, i32
  }
  func.func @transform_6(%arg0: i32) -> (i32, i32) {
    %c0_i32 = arith.constant 0 : i32
    %c0_i32_0 = arith.constant 0 : i32
    %c0_i32_1 = arith.constant 0 : i32
    return %c0_i32, %c0_i32_0 : i32, i32
  }
  func.func @transform_7(%arg0: i32) -> (i32, i32) {
    %c0_i32 = arith.constant 0 : i32
    %c0_i32_0 = arith.constant 0 : i32
    %c0_i32_1 = arith.constant 0 : i32
    return %c0_i32, %c0_i32_0 : i32, i32
  }
}

</mosaic_0001>

<sc_bundles>
// kernel: kernel.5.cloned.1.call-start
scs
__scs_entry_jumppad:
0x0: {  	(pc) =	sbr.rel $0x88, $3  }
0x1: {  	(tag) =	ssettag $0x0;
	lr =	simm.s32 $0x1  }
0x2: {  	[smem:$0x3F98] =	sst lr;
	_ =	strace $0xD0000000  }
0x3: {  	_ = 	snop  }
0x4: {  	_ = 	snop  }
0x5: {  	_ = 	snop  }
0x6: {  	_ = 	snop  }
0x7: {  	_ = 	snop  }
__scs_overlays_trampoline_lowered:
0x8: {  	[smem:$0x3FA7] =	sst s0  }
0x9: {  	[smem:$0x3FA8] =	sst s1  }
0xa: {  	[smem:$0x3FA9] =	sst s2  }
0xb: {  	[smem:$0x3FAA] =	sst s3  }
0xc: {  	[smem:$0x3FAB] =	sst s4  }
0xd: {  	[smem:$0x3FAC] =	sst s5  }
0xe: {  	[smem:$0x3FAD] =	sst s6  }
0xf: {  	[smem:$0x3FAE] =	sst s7  }
0x10: {  	[smem:$0x3FAF] =	sst s8  }
0x11: {  	[smem:$0x3FB0] =	sst s9;
	s0 =	simm.s32 @!p0 $0x0  }
0x12: {  	s1 =	sld [smem:$0x3F96];
	s0 =	simm.s32 @p0 $0x1  }
0x13: {  	[smem:$0x3FB1] =	sst s0;
	s0 =	simm.s32 @!p1 $0x0  }
0x14: {  	s2 =	sld [smem:$0x3F95];
	s0 =	simm.s32 @p1 $0x1  }
0x15: {  	[smem:$0x3FB2] =	sst s0;
	s0 =	simm.s32 @!p2 $0x0  }
0x16: {  	s3 =	sld [smem:$0x3FDB];
	s0 =	simm.s32 @p2 $0x1  }
0x17: {  	s4 =	simm.s32 $0x1BF5;
	[smem:$0x3FB4] =	sst s0  }
0x18: {  	s0 =	sld [smem:$0x3F97];
	_ =	swait.ge [sflag:s4], $0x0  }
0x19: {  	s7 =	sld [smem:$0x3F98]  }
0x1a: {  	s8 =	sadd.s32 $0xFFFFE003, lr  }
0x1b: {  	s9 =	sadd.s32 $0xFFFFFEF7, lr;
	s5 =	simm.s32 $0xFFFFFFFF;
	p2 =	slt.u32 s8, $0xFFFFF086  }
0x1c: {  	p1 =	slt.u32 s9, $0xF7A;
	s5 =	simm.s32 @!p2 $0x0  }
0x1d: {  	s5 =	simm.s32 @p1 $0x1;
	p0 =	seq.s32 s7, s2  }
0x1e: {  	s7 =	smul.u32 @!p0 $0xF7A, s2;
	p2 =	seq.s32 @!p0 s5, $0x0  }
0x1f: {  	s9 =	smul.u32 $0xF7A, s1;
	s8 =	simm.s32 @!p0 $0x1BF5;
	p2 =	por !p2, p0  }
0x20: {  	[sflag:s8] =	ssyncset.s32 @!p0 $0xFFFFF086;
	s6 =	sadd.s32 @!p0 s3, s7;
	s7 =	simm.s32 @!p0 $0x108  }
0x21: {  	s3 =	sadd.s32 s3, s9;
	s6 =	sadd.s32 @!p0 $0x88, s6;
	s7 =	simm.s32 @p2 $0x1082  }
0x22: {  	[simem:s7], [sflag:s8] =	dma.local @!p0 [hbm:s6], $0xF7A  }
0x23: {  	s9 =	sor.u32 $0xD0000000, s2;
	s6 =	simm.s32 $0x108;
	_ =	swait.ge @!p0 [sflag:s8], $0x0  }
0x24: {  	s3 =	sadd.s32 $0x88, s3;
	s6 =	simm.s32 @!p1 $0x1082;
	[sflag:s4] =	ssyncset.s32 $0xFFFFF086  }
0x25: {  	[simem:s6], [sflag:s4] =	dma.local [hbm:s3], $0xF7A  }
0x26: {  	[smem:$0x3F98] =	sst s1;
	(tag) =	ssettag s2;
	_ =	strace s9  }
0x27: {  	s1 =	sld [smem:$0x3FA8]  }
0x28: {  	s2 =	sld [smem:$0x3FA9]  }
0x29: {  	s4 =	sld [smem:$0x3FAB]  }
0x2a: {  	p0 =	seq.s32 s5, $0x0;
	s5 =	sld [smem:$0x3FAC]  }
0x2b: {  	s6 =	sld [smem:$0x3FAD]  }
0x2c: {  	s7 =	sld [smem:$0x3FAE]  }
0x2d: {  	s3 =	simm.s32 $0x108;
	s8 =	sld [smem:$0x3FAF]  }
0x2e: {  	s3 =	simm.s32 @!p0 $0x1082;
	s9 =	sld [smem:$0x3FB0]  }
0x2f: {  	lr =	sadd.s32 s0, s3;
	s0 =	sld [smem:$0x3FA7]  }
0x30: {  	s3 =	sld [smem:$0x3FAA]  }
0x31: {  	[smem:$0x3FB3] =	sst s10  }
0x32: {  	s10 =	sld [smem:$0x3FB1];
	_ =	sdelay $0x3  }
0x33: {  	p0 =	seq.s32 s10, $0x1;
	s10 =	sld [smem:$0x3FB3];
	_ =	sdelay $0x3  }
0x34: {  	[smem:$0x3FB3] =	sst s10  }
0x35: {  	s10 =	sld [smem:$0x3FB2];
	_ =	sdelay $0x3  }
0x36: {  	p1 =	seq.s32 s10, $0x1;
	s10 =	sld [smem:$0x3FB3];
	_ =	sdelay $0x3  }
0x37: {  	[smem:$0x3FB3] =	sst s10  }
0x38: {  	s10 =	sld [smem:$0x3FB4]  }
0x39: {  	_ = 	snop;
	(pc) =	sbr.ind lr, $3  }
0x3a: {  	_ = 	snop  }
0x3b: {  	_ = 	snop  }
0x3c: {  	p2 =	seq.s32 s10, $0x1;
	s10 =	sld [smem:$0x3FB3]  }
0x3d: {  	_ =	shalt  }
0x3e: {  	_ =	shalt  }
0x3f: {  	_ =	shalt  }
0x40: {  	_ =	shalt  }
0x41: {  	_ =	shalt  }
0x42: {  	_ =	shalt  }
0x43: {  	_ =	shalt  }
0x44: {  	_ =	shalt  }
0x45: {  	_ =	shalt  }
0x46: {  	_ =	shalt  }
0x47: {  	_ =	shalt  }
0x48: {  	_ =	shalt  }
0x49: {  	_ =	shalt  }
0x4a: {  	_ =	shalt  }
0x4b: {  	_ =	shalt  }
0x4c: {  	_ =	shalt  }
0x4d: {  	_ =	shalt  }
0x4e: {  	_ =	shalt  }
0x4f: {  	_ =	shalt  }
0x50: {  	_ =	shalt  }
0x51: {  	_ =	shalt  }
0x52: {  	_ =	shalt  }
0x53: {  	_ =	shalt  }
0x54: {  	_ =	shalt  }
0x55: {  	_ =	shalt  }
0x56: {  	_ =	shalt  }
0x57: {  	_ =	shalt  }
0x58: {  	_ =	shalt  }
0x59: {  	_ =	shalt  }
0x5a: {  	_ =	shalt  }
0x5b: {  	_ =	shalt  }
0x5c: {  	_ =	shalt  }
0x5d: {  	_ =	shalt  }
0x5e: {  	_ =	shalt  }
0x5f: {  	_ =	shalt  }
0x60: {  	_ =	shalt  }
0x61: {  	_ =	shalt  }
0x62: {  	_ =	shalt  }
0x63: {  	_ =	shalt  }
0x64: {  	_ =	shalt  }
0x65: {  	_ =	shalt  }
0x66: {  	_ =	shalt  }
0x67: {  	_ =	shalt  }
0x68: {  	_ =	shalt  }
0x69: {  	_ =	shalt  }
0x6a: {  	_ =	shalt  }
0x6b: {  	_ =	shalt  }
0x6c: {  	_ =	shalt  }
0x6d: {  	_ =	shalt  }
0x6e: {  	_ =	shalt  }
0x6f: {  	_ =	shalt  }
0x70: {  	_ =	shalt  }
0x71: {  	_ =	shalt  }
0x72: {  	_ =	shalt  }
0x73: {  	_ =	shalt  }
0x74: {  	_ =	shalt  }
0x75: {  	_ =	shalt  }
0x76: {  	_ =	shalt  }
0x77: {  	_ =	shalt  }
0x78: {  	_ =	shalt  }
0x79: {  	_ =	shalt  }
0x7a: {  	_ =	shalt  }
0x7b: {  	_ =	shalt  }
0x7c: {  	_ =	shalt  }
0x7d: {  	_ =	shalt  }
0x7e: {  	_ =	shalt  }
0x7f: {  	_ =	shalt  }
0x80: {  	_ =	shalt  }
0x81: {  	_ =	shalt  }
0x82: {  	_ =	shalt  }
0x83: {  	_ =	shalt  }
0x84: {  	_ =	shalt  }
0x85: {  	_ =	shalt  }
0x86: {  	_ =	shalt  }
0x87: {  	_ =	shalt  }
.Lfunc_end0:
.L_simem_size_0:
called_computation_lowered:
.L_overlay_start_0:
0x88: {  	s2 =	sld [smem:$0x3FD9]  }
0x89: {  	s3 =	sld [smem:$0x3FFE];
	_ =	sdelay $0x1  }
0x8a: {  	s1 =	srdreg.scid  }
0x8b: {  	s0 =	sand.u32 $0x1, s1  }
0x8c: {  	s17 =	sshll.u32 s0, $0xA;
	s2 =	sadd.s32 s3, s2  }
0x8d: {  	s2 =	sadd.s32 s2, s17  }
0x8e: {  	[smem:$0x3FBF] =	sst s2  }
0x8f: {  	_ = 	snop  }
0x90: {  	s2 =	sld [smem:$0x3FD0];
	(tm) =	ssettm $0x1  }
0x91: {  	s18 =	sld [smem:$0x3FFB];
	_ =	sdelay $0x3  }
0x92: {  	_ =	strace s18  }
0x93: {  	s3 =	sld [smem:$0x3FFC];
	_ =	sdelay $0x3  }
0x94: {  	_ =	strace s3  }
0x95: {  	s3 =	sld [smem:$0x3FFD];
	_ =	sdelay $0x3  }
0x96: {  	_ =	strace s3  }
0x97: {  	_ =	strace $0x8FFFFFFF  }
0x98: {  	s19 =	sld [smem:$0x3FDB];
	_ =	sdelay $0x1  }
0x99: {  	s4 =	simm.s32 $_scs_section_size  }
0x9a: {  	s5 =	simm.s32 $_size__tile_overlayer_lowered;
	s6 =	simm.s32 $_tile_overlayer_lowered  }
0x9b: {  	s22 =	simm.s32 $0x1BFF;
	s21 =	sshll.u32 s6, $0x1;
	s3 =	sadd.s32 s4, s19  }
0x9c: {  	s7 =	simm.s32 $0x0;
	s20 =	sshll.u32 s5, $0x1;
	s5 =	sadd.s32 s21, s3  }
0x9d: {  	[timem:s7], [sflag:s22] =	dma.local [hbm:s5], s20  }
0x9e: {  	_ =	swait.ge [sflag:s22], s20  }
0x9f: {  	s4 =	ssub.s32 $0x0, s20;
	[sflag:s22] =	ssyncset.done $0x0  }
0xa0: {  	[sflag:s22] =	ssyncadd.s32 s4;
	_ =	sdelay $0x1  }
0xa1: {  	s23 =	simm.s32 $0x1B8B  }
0xa2: {  	_ =	swait.ge [sflag:s23], $0x1  }
0xa3: {  	[sflag:s23] =	ssyncset.done $0x0  }
0xa4: {  	s25 =	simm.s32 $0x1B8E;
	s24 =	sld [smem:$0x3FFE];
	[sflag:s23] =	ssyncadd.s32 $0xFFFFFFFF  }
0xa5: {  	s26 =	simm.s32 $execute0_lowered;
	[smem:$0x3FD2] =	sst s25  }
0xa6: {  	s5 =	sshll.u32 s26, $0x1;
	_ =	strace $0x80000046;
	[dreg:$0x1] =	wrdreg $0xFFFFFFFF  }
0xa7: {  	s28 =	simm.s32 $_size_execute0_lowered;
	s3 =	sadd.s32 s3, s5;
	[dreg:$0x0] =	wrdreg $0x0  }
0xa8: {  	s5 =	sshll.u32 s28, $0x1;
	[dreg:$0x2] =	wrdreg s3  }
0xa9: {  	[dreg:$0x3] =	wrdreg s5  }
0xaa: {  	[dreg:$0x4] =	wrdreg $0xC0  }
0xab: {  	_ =	task [dreg:s7], $0x5FFFF  }
0xac: {  	[dreg:$0x1] =	wrdreg $0xFFFFFFFF  }
0xad: {  	[dreg:$0x0] =	wrdreg $0x60  }
0xae: {  	[dreg:$0x2] =	wrdreg s24  }
0xaf: {  	[dreg:$0x3] =	wrdreg s2  }
0xb0: {  	[dreg:$0x4] =	wrdreg $0x9  }
0xb1: {  	_ =	task.clear_ibuf [dreg:s7], $0x5FFFF;
	_ =	strace $0x90000046  }
0xb2: {  	s29 =	simm.s32 $0x9;
	_ =	strace $0x8000004D  }
0xb3: {  	_ =	swait.ge [sflag:s29], $0x1  }
0xb4: {  	[sflag:s29] =	ssyncadd.s32 $0xFFFFFFFF  }
0xb5: {  	_ =	strace $0x9000004D  }
0xb6: {  	_ =	sfence  }
0xb7: {  	s30 =	sld [smem:$0x0];
	_ =	sdelay $0x2  }
0xb8: {  	s31 =	sshll.u32 s1, $0xD;
	s1 =	sshrl.u32 s1, $0x2  }
0xb9: {  	s3 =	sand.u32 $0x4000, s31;
	s1 =	sadd.s32 s1, s30  }
0xba: {  	s0 =	sor.u32 s3, s0;
	s1 =	sshll.u32 s1, $0x11  }
0xbb: {  	s0 =	sor.u32 s1, s0  }
0xbc: {  	s0 =	sadd.s32 $0x8F2B, s0  }
0xbd: {  	[sflag:s0] =	ssyncadd.remote.s32 $0x1  }
0xbe: {  	_ =	sfence.sel $0xFFFF  }
0xbf: {  	[dreg:$0x0] =	wrdreg $0xFFFFFFFF;
	(pc) =	sbr.abs _section_cstart, $3  }
0xc0: {  	[dreg:$0x1] =	wrdreg $0xFFFFFFFF  }
0xc1: {  	_ =	task.clear_ibuf [dreg:s7], $0x2FFFF;
	_ =	strace $0x9FFFFFFF  }
0xc2: {  	(tm) =	ssettm $0x7FFFFFFF  }
0xc3: {  	_ =	shalt  }
tec
execute0_lowered:
.L_overlay_start_1:
0x0: {  	(tag) =	ssettag $0x1  }
0x1: {  	s4 =	rddreg [dreg:$0x0]  }
0x2: {  	s2 =	rddreg [dreg:$0x1]  }
0x3: {  	s0 =	rddreg [dreg:$0x2];
	s5 =	srdreg.scid  }
0x4: {  	s3 =	simm.s32 $0x0;
	s1 =	stileid.u32;
	s8 =	simm.s32 $0x5  }
0x5: {  	s9 =	simm.s32 $0x1;
	s10 =	simm.s32 $0x2080;
	s5 =	sand.u32 $0x1, s5  }
0x6: {  	s11 =	simm.s32 $0x3;
	s7 =	sshll.u32 s1, $0x9;
	s6 =	sshll.u32 s5, $0xD  }
0x7: {  	s12 =	simm.s32 $0x0;
	s5 =	ssub.s32 $0x2, s5;
	s6 =	sor.u32 s7, s6  }
0x8: {  	[smem:$0x7FF] =	sst s3;
	s31 =	sshrl.u32 s5, $0x1;
	s6 =	sadd.s32 s6, s4  }
0x9: {  	_ =	strace $0x80000047;
	s7 =	ssub.s32 s5, s31;
	s4 =	sadd.s32 $0x2800, s6  }
0xa: {  	s5 =	sadd.s32 $0x6800, s6;
	s6 =	smax.u32 s7, $0x1;
	s7 =	simm.s32 $0x2000  }
.LBB2_1:
0xb: {  	[tilespmem:s7], [sflag:$0x5] =	stream.linear.gather [hbm4b:s2+s3], $0x80, $0x38;
	[tilespmem:$0x4080] =	vst v63  }
0xc: {  	_ =	swait.ge [sflag:s8], $0x80  }
0xd: {  	[sflag:s8] =	ssyncset.done $0x0  }
0xe: {  	[sflag:s8] =	ssyncadd.s32 $0xFFFFFF80  }
0xf: {  	_ =	strace $0x80000048  }
0x10: {  	[tilespmem:s3], [sflag:$0x1] =	stream.linear.gather [hbm4b:s4+s3], $0x1000, $0x200038;
	[tilespmem:$0x4080] =	vst v63  }
0x11: {  	_ =	strace $0x90000048  }
0x12: {  	_ =	strace $0x80000049  }
0x13: {  	_ =	swait.ge [sflag:s9], $0x1000  }
0x14: {  	[sflag:s9] =	ssyncset.done $0x0  }
0x15: {  	[sflag:s9] =	ssyncadd.s32 $0xFFFFF000  }
0x16: {  	_ =	strace $0x90000049  }
0x17: {  	s13 =	simm.s32 $0x0;
	_ =	strace $0x8000004A  }
0x18: {  	v1 =	vld [tilespmem:s13+$0x0];
	_ =	sdelay $0x4  }
0x19: {  	(xrf0) =	vmax.scan.msk.f32 $0xffff, v1;
	_ =	sdelay $0x2  }
0x1a: {  	s15 =	simm.s32 $0x80  }
0x1b: {  	v2 =	vld [tilespmem:s15+$0x0]  }
0x1c: {  	v0 =	vld [tilespmem:$0x2000]  }
0x1d: {  	v3, _, _ =	vpop (xrf0)  }
0x1e: {  	v4 =	vbroadcast v3, $0xF;
	_ =	sdelay $0x1  }
0x1f: {  	(xrf0) =	vmax.scan.msk.f32 $0xffff, v2;
	vm0 =	veq.f32 v1, v4  }
0x20: {  	v4 =	vnsel vm0, $0x41800000, v0  }
0x21: {  	(xrf0) =	vmin.scan.msk.f32 $0xffff, v4;
	_ =	sdelay $0x2  }
0x22: {  	s14 =	simm.s32 $0x100  }
0x23: {  	v11 =	vld [tilespmem:s14+$0x0];
	v4, _, _ =	vpop (xrf0)  }
0x24: {  	v5 =	vbroadcast v4, $0xF  }
0x25: {  	v6, _, _ =	vpop (xrf0)  }
0x26: {  	vm0 =	veq.f32 v2, v5;
	v5 =	vbroadcast v6, $0xF;
	_ =	sdelay $0x1  }
0x27: {  	(xrf0) =	vmax.scan.msk.f32 $0xffff, v11;
	v6 =	vnsel vm0, $0x41800000, v0;
	vm0 =	veq.f32 v0, v5  }
0x28: {  	(xrf0) =	vmin.scan.msk.f32 $0xffff, v6;
	v7 =	vsel vm0, $0xF149F2CA, v1  }
0x29: {  	(xrf0) =	vmax.scan.msk.f32 $0xffff, v7;
	_ =	sdelay $0x1  }
0x2a: {  	s16 =	simm.s32 $0x180  }
0x2b: {  	v5 =	vld [tilespmem:s16+$0x0]  }
0x2c: {  	v6, _, _ =	vpop (xrf0)  }
0x2d: {  	v8 =	vbroadcast v6, $0xF;
	v9, _, _ =	vpop (xrf0)  }
0x2e: {  	(v2sf) =	vpush v3, $0xF;
	v9 =	vbroadcast v9, $0xF;
	v12, _, _ =	vpop (xrf0)  }
0x2f: {  	vm1 =	veq.f32 v11, v8;
	(v2sf) =	vpush v12, $0xF  }
0x30: {  	v8 =	vnsel vm1, $0x41800000, v0;
	vm1 =	veq.f32 v0, v9;
	(xrf0) =	vmax.scan.msk.f32 $0xffff, v5  }
0x31: {  	v9 =	vsel vm1, $0xF149F2CA, v2;
	(xrf0) =	vmin.scan.msk.f32 $0xffff, v8  }
0x32: {  	s17 =	simm.s32 $0x200;
	(xrf0) =	vmax.scan.msk.f32 $0xffff, v9  }
0x33: {  	v3 =	vld [tilespmem:s17+$0x0];
	_ =	sdelay $0x2  }
0x34: {  	v13, _, _ =	vpop (xrf0)  }
0x35: {  	v8, _, _ =	vpop (xrf0)  }
0x36: {  	(v2sf) =	vpush v4, $0xF;
	(xrf0) =	vmax.scan.msk.f32 $0xffff, v3;
	v10 =	vbroadcast v13, $0xF;
	v16, _, _ =	vpop (xrf0)  }
0x37: {  	v4 =	vbroadcast v8, $0xF;
	(v2sf) =	vpush v16, $0xF  }
0x38: {  	vm2 =	veq.f32 v5, v10  }
0x39: {  	v10 =	vnsel vm2, $0x41800000, v0;
	vm2 =	veq.f32 v0, v4  }
0x3a: {  	s18 =	simm.s32 $0x280;
	v8 =	vsel vm2, $0xF149F2CA, v11;
	(xrf0) =	vmin.scan.msk.f32 $0xffff, v10  }
0x3b: {  	s19 =	spop (v2sf);
	v4 =	vld [tilespmem:s18+$0x0];
	(xrf0) =	vmax.scan.msk.f32 $0xffff, v8  }
0x3c: {  	v18, _, _ =	vpop (xrf0);
	s20 =	spop (v2sf)  }
0x3d: {  	v1 =	vmul.f32 $0.0e+00, v1;
	v10 =	vbroadcast v18, $0xF;
	s19 =	ssub.f32 s20, s19;
	_ =	sdelay $0x1  }
0x3e: {  	vm3 =	veq.f32 v3, v10;
	(v2sf) =	vpush v6, $0xF;
	v1 =	vadd.f32 s19, v1  }
0x3f: {  	v6 =	vnsel vm3, $0x41800000, v0;
	v14, _, _ =	vpop (xrf0);
	(xrf0) =	vmax.scan.msk.f32 $0xffff, v4  }
0x40: {  	v10, _, _ =	vpop (xrf0);
	(xrf0) =	vmin.scan.msk.f32 $0xffff, v6;
	v1 =	vmul.f32 $1.442695020e+00, v1;
	_ =	sdelay $0x1  }
0x41: {  	(v2sf) =	vpush v10, $0xF;
	(erf) = vpow2.f32 v1;
	v1 =	vbroadcast v14, $0xF  }
0x42: {  	s19 =	simm.s32 $0x300  }
0x43: {  	s30 =	spop (v2sf);
	v6 =	vld [tilespmem:s19+$0x0];
	vm3 =	veq.f32 v0, v1  }
0x44: {  	v15 =	vmul.f32 $0.0e+00, v2;
	v12 =	vbroadcast v12, $0xF;
	v14, _, _ =	vpop (xrf0);
	s21 =	spop (v2sf);
	v2 =	vsel vm3, $0xF149F2CA, v5  }
0x45: {  	v17, _, _ =	vpop (xrf0);
	s20 =	ssub.f32 s21, s30;
	v1 =	vbroadcast v14, $0xF;
	(xrf0) =	vmax.scan.msk.f32 $0xffff, v2  }
0x46: {  	vm5 =	veq.f32 v7, v12;
	v17 =	vbroadcast v17, $0xF  }
0x47: {  	v7 =	vnsel vm5, $0x41800000, v0;
	v15 =	vadd.f32 s20, v15;
	vm4 =	veq.f32 v4, v1  }
0x48: {  	v1 =	vnsel vm4, $0x41800000, v0;
	(xrf0) =	vmax.scan.msk.f32 $0xffff, v6;
	vm4 =	vmmov vm1;
	vm1 =	veq.f32 v0, v17  }
0x49: {  	v15 =	vmul.f32 $1.442695020e+00, v15;
	(xrf0) =	vmin.scan.msk.f32 $0xffff, v1;
	v1 =	vsel vm1, $0xF149F2CA, v3  }
0x4a: {  	(v2sf) =	vpush v13, $0xF;
	(xrf0) =	vmax.scan.msk.f32 $0xffff, v1;
	v12 =	vpop (erf)  }
0x4b: {  	(erf) = vpow2.f32 v15;
	(xrf0) =	vmin.scan.msk.f32 $0xffff, v7;
	v15 =	vadd.f32 $1.000000000e+00, v12;
	v7, _, _ =	vpop (xrf0)  }
0x4c: {  	vm0 =	vmmov vm0;
	s31 =	spop (v2sf);
	(v2sf) =	vpush v7, $0xF  }
0x4d: {  	vm0 =	vmmov vm0;
	(erf) = vrcp.f32 v15  }
0x4e: {  	vm0 =	vmmov vm0;
	vm2 =	vmmov vm2;
	v17, _, _ =	vpop (xrf0)  }
0x4f: {  	vm0 =	vmmov vm0;
	vm2 =	vmmov vm2;
	s20 =	simm.s32 $0x380;
	v13 =	vbroadcast v17, $0xF  }
0x50: {  	v11 =	vmul.f32 $0.0e+00, v11;
	vm2 =	vmmov vm2;
	vm4 =	vmmov vm4;
	s22 =	spop (v2sf);
	v15 =	vld [tilespmem:s20+$0x0]  }
0x51: {  	vm6 =	vmmov vm3;
	vm1 =	vmmov vm1;
	vm5 =	vmmov vm4;
	v19, _, _ =	vpop (xrf0);
	s21 =	ssub.f32 s22, s31  }
0x52: {  	vm4 =	vmmov vm0;
	(v2sf) =	vpush v18, $0xF;
	v19 =	vbroadcast v19, $0xF  }
0x53: {  	vm3 =	vmmov vm5;
	vm5 =	veq.f32 v6, v13;
	v21 =	vadd.f32 s21, v11;
	v13, _, _ =	vpop (xrf0)  }
0x54: {  	vm0 =	vmmov vm6;
	s21 =	simm.s32 $0x1000;
	v20 =	vnsel vm5, $0x41800000, v0;
	vm5 =	veq.f32 v0, v19;
	v18, _, _ =	vpop (xrf0)  }
0x55: {  	v11 =	vsel vm5, $0xF149F2CA, v4;
	v19 =	vmul.f32 $1.442695020e+00, v21;
	v21 =	vbroadcast v16, $0xF;
	(xrf0) =	vmax.scan.msk.f32 $0xffff, v15;
	v16 =	vpop (erf)  }
.LBB2_2:
0x56: {  	(xrf0) =	vmin.scan.msk.f32 $0xffff, v20;
	(v2sf) =	vpush v13, $0xF;
	v20 =	vadd.f32 $1.000000000e+00, v16;
	v18 =	vbroadcast v18, $0xF;
	v22 =	vpop (erf)  }
0x57: {  	p0 =	sne.s32 s21, $0x3E00;
	v23 =	vmovc v15;
	v24 =	vmovc v14;
	v14 =	vmov v17;
	v25 =	vmov v10;
	v10 =	vmov v7  }
0x58: {  	v7 =	vmovc v13;
	(erf) = vpow2.f32 v19;
	vm6 =	veq.f32 v9, v21;
	v17 =	vmul.f32 v22, v12;
	v9 =	vmovc v8  }
0x59: {  	v8 =	vmovc v2;
	(xrf0) =	vmax.scan.msk.f32 $0xffff, v11;
	s22 =	spop (v2sf);
	v13 =	vnsel vm6, $0x41800000, v0;
	(erf) = vrcp.f32 v20;
	vm6 =	veq.f32 v0, v18  }
0x5a: {  	v2 =	vmovc v1;
	v1 =	vmov v11;
	(xrf0) =	vmin.scan.msk.f32 $0xffff, v13;
	v13 =	vnsel vm4, $0x0, v22;
	v15 =	vnsel vm6, $0x0, v17  }
0x5b: {  	s23 =	sshra.s32 s21, $0x2;
	v12 =	vmovc v16;
	vm4 =	vmmov vm3;
	vm3 =	vmmov vm2;
	s24 =	spop (v2sf);
	v11 =	vadd.f32 v15, v13  }
0x5c: {  	vm2 =	vmmov vm0;
	vm0 =	vmmov vm1;
	vm1 =	vmmov vm5;
	v15 =	vld [tilespmem:s23+$0x0];
	v17, _, _ =	vpop (xrf0)  }
.Ltmp0:
0x5d: {  	v21 =	vmul.f32 $0.0e+00, v5;
	v5 =	vmov v3;
	s22 =	ssub.f32 s24, s22;
	v19 =	vbroadcast v17, $0xF;
	v16, _, _ =	vpop (xrf0);
	[tilespmem:s13+$0x2080] =	vst v11;
	s13 =	smov.u32 s15;
	(pc) =	sbr.rel @p0 .LBB2_2-.Ltmp0, $4  }
0x5e: {  	v3 =	vmovc v4;
	v4 =	vmov v6;
	v6 =	vmov v23;
	s15 =	smov.u32 s14;
	s14 =	smov.u32 s16;
	s16 =	smov.u32 s17;
	v11 =	vbroadcast v16, $0xF  }
0x5f: {  	s17 =	smov.u32 s18;
	s18 =	smov.u32 s19;
	s19 =	smov.u32 s20;
	v22 =	vadd.f32 s22, v21;
	vm5 =	veq.f32 v6, v19;
	v13, _, _ =	vpop (xrf0)  }
0x60: {  	s20 =	smov.u32 s23;
	v20 =	vnsel vm5, $0x41800000, v0;
	vm5 =	veq.f32 v0, v11;
	(v2sf) =	vpush v24, $0xF;
	v18, _, _ =	vpop (xrf0)  }
0x61: {  	s21 =	sadd.s32 $0x200, s21;
	v21 =	vbroadcast v25, $0xF;
	v19 =	vmul.f32 $1.442695020e+00, v22;
	(xrf0) =	vmax.scan.msk.f32 $0xffff, v15;
	v11 =	vsel vm5, $0xF149F2CA, v4;
	v16 =	vpop (erf)  }
0x62: {  	_ =	sdelay $0x4  }
0x63: {  	v22, _, _ =	vpop (xrf0)  }
0x64: {  	v23 =	vbroadcast v22, $0xF  }
0x65: {  	vm6 =	veq.f32 v9, v21;
	(xrf0) =	vmin.scan.msk.f32 $0xffff, v20  }
0x66: {  	v9 =	vnsel vm6, $0x41800000, v0;
	(xrf0) =	vmax.scan.msk.f32 $0xffff, v11;
	vm15 =	veq.f32 v15, v23  }
0x67: {  	(xrf0) =	vmin.scan.msk.f32 $0xffff, v9;
	v38 =	vnsel vm15, $0x41800000, v0  }
0x68: {  	(xrf0) =	vmin.scan.msk.f32 $0xffff, v38;
	_ =	sdelay $0x2  }
0x69: {  	(v2sf) =	vpush v13, $0xF;
	v39, _, _ =	vpop (xrf0)  }
0x6a: {  	(v2sf) =	vpush v14, $0xF;
	v40, _, _ =	vpop (xrf0)  }
0x6b: {  	v9 =	vbroadcast v39, $0xF;
	v41, _, _ =	vpop (xrf0);
	(v2sf) =	vpush v40, $0xF  }
0x6c: {  	s21 =	spop (v2sf);
	v42 =	vbroadcast v10, $0xF;
	v43, _, _ =	vpop (xrf0)  }
0x6d: {  	s22 =	spop (v2sf);
	vm7 =	veq.f32 v0, v9;
	v10 =	vbroadcast v43, $0xF  }
0x6e: {  	v5 =	vmul.f32 $0.0e+00, v5;
	vm9 =	veq.f32 v8, v42;
	s21 =	ssub.f32 s22, s21;
	v44 =	vsel vm7, $0xF149F2CA, v6  }
0x6f: {  	v8 =	vnsel vm9, $0x41800000, v0;
	(xrf0) =	vmax.scan.msk.f32 $0xffff, v44;
	vm6 =	veq.f32 v0, v10  }
0x70: {  	v5 =	vadd.f32 s21, v5;
	(xrf0) =	vmin.scan.msk.f32 $0xffff, v8;
	v8 =	vsel vm6, $0xF149F2CA, v15  }
0x71: {  	v45 =	vadd.f32 $1.000000000e+00, v16;
	(xrf0) =	vmax.scan.msk.f32 $0xffff, v8  }
0x72: {  	(erf) = vpow2.f32 v19;
	v5 =	vmul.f32 $1.442695020e+00, v5  }
0x73: {  	(erf) = vrcp.f32 v45  }
0x74: {  	(erf) = vpow2.f32 v5  }
0x75: {  	(v2sf) =	vpush v17, $0xF;
	v46, _, _ =	vpop (xrf0)  }
0x76: {  	(v2sf) =	vpush v46, $0xF;
	v47, _, _ =	vpop (xrf0)  }
0x77: {  	s23 =	spop (v2sf);
	(v2sf) =	vpush v22, $0xF;
	v48, _, _ =	vpop (xrf0)  }
0x78: {  	s24 =	spop (v2sf);
	(v2sf) =	vpush v48, $0xF  }
0x79: {  	v3 =	vmul.f32 $0.0e+00, v3;
	s21 =	ssub.f32 s24, s23;
	s25 =	spop (v2sf)  }
0x7a: {  	v49 =	vpop (erf);
	s26 =	spop (v2sf)  }
0x7b: {  	v4 =	vmul.f32 $0.0e+00, v4;
	v19 =	vpop (erf);
	v3 =	vadd.f32 s21, v3;
	s21 =	ssub.f32 s26, s25  }
0x7c: {  	v50 =	vadd.f32 $1.000000000e+00, v19;
	v51 =	vpop (erf)  }
0x7d: {  	v52 =	vpop (erf);
	v3 =	vmul.f32 $1.442695020e+00, v3;
	v4 =	vadd.f32 s21, v4  }
0x7e: {  	(erf) = vrcp.f32 v50;
	v53 =	vadd.f32 $1.000000000e+00, v52  }
0x7f: {  	(erf) = vpow2.f32 v3;
	v4 =	vmul.f32 $1.442695020e+00, v4  }
0x80: {  	(erf) = vrcp.f32 v53  }
0x81: {  	(erf) = vpow2.f32 v4;
	_ =	sdelay $0x2  }
0x82: {  	v54 =	vbroadcast v18, $0xF;
	s28 =	spop (v2sf)  }
0x83: {  	v57 =	vmul.f32 $0.0e+00, v6;
	vm3 =	vmmov vm3;
	v63 =	vmul.f32 $0.0e+00, v15;
	s29 =	spop (v2sf)  }
0x84: {  	v7 =	vbroadcast v7, $0xF;
	vm2 =	vmmov vm2;
	vm0 =	vmmov vm0;
	s21 =	ssub.f32 s29, s28;
	s30 =	spop (v2sf)  }
0x85: {  	vm1 =	vmmov vm1;
	vm12 =	vmmov vm5;
	v29 =	vbroadcast v13, $0xF;
	v58 =	vpop (erf);
	s31 =	spop (v2sf)  }
0x86: {  	v55 =	vmul.f32 v49, v12;
	v56 =	vnsel vm4, $0x0, v49;
	v60 =	vpop (erf);
	v6 =	vadd.f32 s21, v57;
	s21 =	ssub.f32 s31, s30  }
0x87: {  	vm2 =	vmmov vm2;
	vm0 =	vmmov vm0;
	v62 =	vadd.f32 $1.000000000e+00, v60;
	v24 =	vpop (erf)  }
0x88: {  	vm1 =	vmmov vm1;
	v6 =	vmul.f32 $1.442695020e+00, v6;
	v25 =	vpop (erf);
	v15 =	vadd.f32 s21, v63  }
0x89: {  	vm13 =	vmmov vm12;
	(erf) = vrcp.f32 v62;
	v26 =	vadd.f32 $1.000000000e+00, v25  }
0x8a: {  	vm8 =	veq.f32 v0, v54;
	(erf) = vpow2.f32 v6;
	v15 =	vmul.f32 $1.442695020e+00, v15  }
0x8b: {  	vm11 =	veq.f32 v2, v7;
	vm0 =	vmmov vm0;
	(erf) = vrcp.f32 v26  }
0x8c: {  	vm1 =	vmmov vm1;
	v59 =	vbroadcast v41, $0xF;
	(erf) = vpow2.f32 v15  }
0x8d: {  	v2 =	vnsel vm11, $0x41800000, v0;
	v61 =	vmul.f32 v51, v16;
	v34 =	vbroadcast v40, $0xF  }
0x8e: {  	vm9 =	vmmov vm13;
	v23 =	vnsel vm3, $0x0, v51;
	vm10 =	veq.f32 v0, v59  }
0x8f: {  	vm14 =	vmmov vm7;
	v16 =	vnsel vm10, $0x0, v61;
	vm10 =	veq.f32 v11, v34  }
0x90: {  	vm4 =	vmmov vm14;
	v27 =	vadd.f32 v16, v23;
	v37 =	vnsel vm10, $0x41800000, v0  }
0x91: {  	vm11 =	vmmov vm6;
	v4 =	vnsel vm8, $0x0, v55;
	vm8 =	veq.f32 v1, v29  }
0x92: {  	(xrf0) =	vmin.scan.msk.f32 $0xffff, v2;
	v5 =	vbroadcast v46, $0xF;
	v28 =	vbroadcast v47, $0xF;
	v7 =	vnsel vm8, $0x41800000, v0;
	v32 =	vpop (erf)  }
0x93: {  	vm11 =	vmmov vm11;
	v30 =	vmul.f32 v58, v19;
	v31 =	vnsel vm2, $0x0, v58;
	(xrf0) =	vmin.scan.msk.f32 $0xffff, v7;
	v35 =	vpop (erf)  }
0x94: {  	vm12 =	veq.f32 v44, v5;
	vm15 =	veq.f32 v0, v28;
	v41 =	vbroadcast v48, $0xF;
	v39 =	vpop (erf)  }
0x95: {  	v44 =	vnsel vm12, $0x41800000, v0;
	v33 =	vnsel vm15, $0x0, v30;
	v38 =	vadd.f32 $1.000000000e+00, v35;
	v40 =	vpop (erf)  }
0x96: {  	vm15 =	vmmov vm1;
	vm14 =	veq.f32 v8, v41;
	(xrf0) =	vmin.scan.msk.f32 $0xffff, v37;
	v42 =	vadd.f32 $1.000000000e+00, v40  }
0x97: {  	v2 =	vadd.f32 v33, v31;
	v8 =	vnsel vm14, $0x41800000, v0;
	(erf) = vrcp.f32 v38  }
0x98: {  	v36, _, _ =	vpop (xrf0);
	v12 =	vnsel vm0, $0x0, v24;
	vm0 =	vmmov vm11;
	(xrf0) =	vmin.scan.msk.f32 $0xffff, v44;
	(erf) = vrcp.f32 v42  }
0x99: {  	vm0 =	vmmov vm0;
	v3 =	vadd.f32 v4, v56;
	v4 =	vbroadcast v36, $0xF;
	v45, _, _ =	vpop (xrf0);
	(xrf0) =	vmin.scan.msk.f32 $0xffff, v8  }
0x9a: {  	v43 =	vmul.f32 v24, v52;
	vm0 =	vmmov vm0;
	vm8 =	vmmov vm9  }
0x9b: {  	vm9 =	vmmov vm4;
	vm1 =	vmmov vm8;
	vm13 =	veq.f32 v0, v4  }
0x9c: {  	vm2 =	vmmov vm9;
	v46 =	vnsel vm13, $0x0, v43;
	v47 =	vbroadcast v45, $0xF;
	v49, _, _ =	vpop (xrf0)  }
0x9d: {  	vm13 =	vmmov vm2;
	v4 =	vadd.f32 v46, v12;
	v7 =	vbroadcast v49, $0xF  }
0x9e: {  	v52, _, _ =	vpop (xrf0);
	v48 =	vmul.f32 v32, v60;
	vm10 =	veq.f32 v0, v47;
	v51 =	vmul.f32 v39, v25  }
0x9f: {  	v1 =	vnsel vm15, $0x0, v32;
	vm12 =	veq.f32 v0, v7;
	v7 =	vbroadcast v52, $0xF;
	v56, _, _ =	vpop (xrf0)  }
0xa0: {  	[tilespmem:s13+$0x2080] =	vst v3;
	v50 =	vnsel vm10, $0x0, v48;
	v53 =	vnsel vm1, $0x0, v39;
	v8 =	vnsel vm12, $0x0, v51;
	v54 =	vpop (erf)  }
0xa1: {  	[tilespmem:s15+$0x2080] =	vst v27;
	v55 =	vadd.f32 v8, v53;
	v8 =	vbroadcast v56, $0xF;
	v57 =	vmul.f32 v54, v35;
	v58 =	vpop (erf)  }
0xa2: {  	[tilespmem:s14+$0x2080] =	vst v2;
	v1 =	vadd.f32 v50, v1;
	vm14 =	veq.f32 v0, v7;
	v5 =	vmul.f32 v58, v40  }
0xa3: {  	[tilespmem:s16+$0x2080] =	vst v4;
	vm15 =	veq.f32 v0, v8;
	v59 =	vnsel vm13, $0x0, v54;
	v60 =	vnsel vm14, $0x0, v57  }
0xa4: {  	[tilespmem:s17+$0x2080] =	vst v1;
	v61 =	vadd.f32 v60, v59;
	v62 =	vnsel vm0, $0x0, v58;
	v63 =	vnsel vm15, $0x0, v5  }
0xa5: {  	[tilespmem:s18+$0x2080] =	vst v55;
	v1 =	vadd.f32 v63, v62  }
0xa6: {  	[tilespmem:s19+$0x2080] =	vst v61  }
0xa7: {  	[tilespmem:s20+$0x2080] =	vst v1  }
0xa8: {  	_ =	strace $0x9000004A  }
0xa9: {  	s12 =	sadd.s32 $0x1, s12;
	_ =	strace $0x8000004B  }
0xaa: {  	[hbm4b:s5+s3] =	stream.linear.scatter [tilespmem:s10], [sflag:$0x3], $0x1000, $0x200038;
	[tilespmem:$0x4080] =	vst v63  }
0xab: {  	p0 =	sne.s32 s12, s6;
	_ =	strace $0x9000004B  }
.Ltmp1:
0xac: {  	_ =	strace $0x8000004C;
	(pc) =	sbr.rel @p0 .LBB2_1-.Ltmp1, $4  }
0xad: {  	_ =	swait.ge [sflag:s11], $0x1000  }
0xae: {  	[sflag:s11] =	ssyncset.done $0x0  }
0xaf: {  	[sflag:s11] =	ssyncadd.s32 $0xFFFFF000  }
0xb0: {  	_ =	strace $0x9000004C  }
0xb1: {  	_ =	sfence.sel $0x180000  }
0xb2: {  	[bflag:$0x0] =	sbarrier.arrive $0xFFFF  }
0xb3: {  	p0 =	sne.s32 s1, $0x0;
	_ =	strace $0x90000047  }
0xb4: {  	s0 =	sadd.s32 @!p0 $0x100000, s0;
	[bflag:$0x2] =	sbarrier.arrive $0xFFFF  }
0xb5: {  	[sflag:s0] =	ssyncadd.tile.s32 @!p0 $0x1;
	_ =	shalt  }
.Lfunc_end2:
_tile_overlayer_lowered:
.L_overlay_start_2:
0xb6: {  	(tag) =	ssettag $0x2  }
0xb7: {  	s0 =	rddreg [dreg:$0x0];
	s2 =	stileid.u32  }
0xb8: {  	s1 =	rddreg [dreg:$0x1];
	p0 =	sne.s32 s2, $0x0  }
0xb9: {  	s3 =	rddreg [dreg:$0x2];
	[bflag:$0x3] =	sbarrier.arrive $0xFFFF;
	s2 =	simm.s32 @!p0 $0x1C01  }
0xba: {  	[timem:s3], [sflag:s2] =	dma.local @!p0 [hbm:s0], s1  }
0xbb: {  	s0 =	simm.s32 @!p0 $0x1  }
0xbc: {  	_ =	swait.ge @!p0 [sflag:s0], s1  }
0xbd: {  	s1 =	ssub.s32 @!p0 $0x0, s1;
	[sflag:s0] =	ssyncset.done @!p0 $0x0  }
0xbe: {  	[sflag:s0] =	ssyncadd.s32 @!p0 s1  }
0xbf: {  	[bflag:$0x3] =	sbarrier.arrive $0xFFFF  }
0xc0: {  	_ =	shalt  }

</sc_bundles>
